<compile_context>
chip_gen: v7x
topology: tpu7x:2x2x1
jax: 0.10.2.dev20260603
libtpu: 0.0.44.dev20260713+nightly
codegen_flags: <defaults>
</compile_context>

<pallas_src>
import jax
import jax.numpy as jnp
from jax import lax
from jax.experimental import pallas as pl
from jax.experimental.pallas import tpu as pltpu
from jax.experimental.pallas import tpu_sc as plsc

N_TOK = 32768
N_SEG = 16
N_SUB = 16
CHUNK = N_TOK // N_SUB
NV = CHUNK // 16
UNROLL = 4
N_ROW = N_SEG * UNROLL


def _sc_body(x_hbm, coef_hbm, bnd_hbm, out_hbm, red_hbm,
             xv, yv, segv, coefv, bndv, pbuf, invv, rall):
    sid = lax.axis_index("s")
    base = sid * CHUNK
    pltpu.sync_copy(x_hbm.at[pl.ds(base, CHUNK)], xv)
    pltpu.sync_copy(coef_hbm, coefv)
    pltpu.sync_copy(bnd_hbm, bndv)

    iota = lax.broadcasted_iota(jnp.int32, (16,), 0)
    gbase = jnp.left_shift(jnp.right_shift(iota, 2), 2)
    wrows = [coefv[pl.ds(16 * k, 16)] for k in range(4)]

    zv = jnp.zeros((16,), jnp.float32)
    for r in range(N_ROW):
        pbuf[r] = zv

    def sA(it, carry):
        for j in range(UNROLL):
            off = (it * UNROLL + j) * 16
            y = wrows[0] * plsc.load_gather(xv, [off + gbase])
            for k in range(1, 4):
                y = y + wrows[k] * plsc.load_gather(xv, [off + gbase + k])
            yv[pl.ds(off, 16)] = y
            p = base + off + iota
            seg = jnp.zeros((16,), jnp.int32)
            for bit in (8, 4, 2, 1):
                cand = seg + bit
                b = plsc.load_gather(bndv, [cand])
                seg = jnp.where(b <= p, cand, seg)
            segv[pl.ds(off, 16)] = seg
            row = jnp.left_shift(seg, 2) + j
            plsc.addupdate_scatter(pbuf, [row, iota], jnp.abs(y))
        return carry

    lax.fori_loop(0, NV // UNROLL, sA, 0)

    psum = zv
    for s in range(N_SEG):
        acc = pbuf[4 * s]
        for j in range(1, UNROLL):
            acc = acc + pbuf[4 * s + j]
        psum = psum + jnp.where(iota == s,
                                jnp.full((16,), 1.0, jnp.float32)
                                * jnp.sum(acc), zv)
    invv[...] = psum

    pltpu.sync_copy(invv, red_hbm.at[sid])
    plsc.subcore_barrier()
    pltpu.sync_copy(red_hbm, rall)

    tot = rall[0]
    for u in range(1, N_SUB):
        tot = tot + rall[u]
    invv[...] = jnp.full((16,), 1.0, jnp.float32) / tot

    @plsc.parallel_loop(0, NV, unroll=4)
    def sB(t):
        off = t * 16
        seg = segv[pl.ds(off, 16)]
        iv = plsc.load_gather(invv, [seg])
        yv[pl.ds(off, 16)] = yv[pl.ds(off, 16)] * iv

    pltpu.sync_copy(yv, out_hbm.at[pl.ds(base, CHUNK)])


def _coef_table(W):
    lane = jnp.arange(16) % 4
    rows = [W[lane, k] for k in range(4)]
    return jnp.concatenate(rows).astype(jnp.float32)


@jax.jit
def kernel(x, slices, W):
    bnd = jnp.zeros((32,), jnp.int32).at[:N_SEG + 1].set(
        slices.astype(jnp.int32))
    coef = _coef_table(W)

    mesh = plsc.VectorSubcoreMesh(
        core_axis_name="c", subcore_axis_name="s", num_cores=1)
    kfn = pl.kernel(
        _sc_body,
        out_type=(jax.ShapeDtypeStruct((N_TOK,), jnp.float32),
                  jax.ShapeDtypeStruct((N_SUB, 16), jnp.float32)),
        mesh=mesh,
        scratch_types=[
            pltpu.VMEM((CHUNK,), jnp.float32),
            pltpu.VMEM((CHUNK,), jnp.float32),
            pltpu.VMEM((CHUNK,), jnp.int32),
            pltpu.VMEM((64,), jnp.float32),
            pltpu.VMEM((32,), jnp.int32),
            pltpu.VMEM((N_ROW, 16), jnp.float32),
            pltpu.VMEM((16,), jnp.float32),
            pltpu.VMEM((N_SUB, 16), jnp.float32),
        ],
        compiler_params=pltpu.CompilerParams(needs_layout_passes=False),
    )
    out, _ = kfn(x, coef, bnd)
    return out

# --- scband reference (transcript-rebuilt; emitter-appended) ---
"""Pipeline reference for scband-simulate-batched-full-attn2-78572131713233 (READ-ONLY COPY).

The authoritative reference and input builder live on the scoring server;
editing this copy changes nothing except your own understanding.
"""

import jax, jax.numpy as jnp
import numpy as np

N_TOK = 32768
N_SEG = 16

def setup_inputs(seed: int = 0) -> dict:
    key = jax.random.key(seed)
    kx, ks = jax.random.split(key)
    x = jax.random.normal(kx, (N_TOK,), dtype=jnp.float32)
    # slices: sorted boundaries with fixed endpoints 0 and N_TOK (cu_seqlens style)
    interior = jnp.sort(jax.random.randint(ks, (N_SEG - 1,), 0, N_TOK))
    slices = jnp.concatenate([
        jnp.zeros((1,), dtype=interior.dtype),
        interior,
        jnp.full((1,), N_TOK, dtype=interior.dtype),
    ]).astype(jnp.int64)
    # learned param: Linear(4,4,bias=False) with weight = arange(16).reshape(4,4)
    W = jnp.arange(16, dtype=jnp.float32).reshape(4, 4)
    return {"x": x, "slices": slices, "W": W}

def reference(x, slices, W):
    # lst0: apply Linear(4,4) to consecutive chunks of 4 elements of the flat 1D x,
    # then concat -> equivalent to reshape to [N/4, 4], y = v @ W.T, flatten back.
    y = (x.reshape(-1, 4) @ W.T).reshape(-1)
    # lst1: ragged slices x[slices[i-1]:slices[i]]; batched=False path applies
    # Norm (L1 normalization along the slice) independently per segment, then concat.
    pos = jnp.arange(y.shape[0])
    seg = jnp.searchsorted(slices, pos, side='right') - 1
    abs_sum = jax.ops.segment_sum(jnp.abs(y), seg, num_segments=slices.shape[0] - 1)
    out = y / abs_sum[seg]
    return out

if __name__ == "__main__":
    import jax
    _d = setup_inputs()
    print(jax.jit(kernel)(*tuple(_d.values())))

</pallas_src>

<mosaic_0001>
#map = affine_map<(d0, d1) -> (0)>
#map1 = affine_map<(d0, d1) -> (0, 0)>
module attributes {stable_mosaic.version = 14 : i64} {
  func.func @_sc_body(%arg0: i32, %arg1: i32, %arg2: memref<32768xf32, #tpu.memory_space<hbm>>, %arg3: memref<64xf32, #tpu.memory_space<hbm>>, %arg4: memref<32xi32, #tpu.memory_space<hbm>>, %arg5: memref<32768xf32, #tpu.memory_space<hbm>>, %arg6: memref<16x16xf32, #tpu.memory_space<hbm>>, %arg7: memref<2048xf32, #tpu.memory_space<vmem>>, %arg8: memref<2048xf32, #tpu.memory_space<vmem>>, %arg9: memref<2048xi32, #tpu.memory_space<vmem>>, %arg10: memref<64xf32, #tpu.memory_space<vmem>>, %arg11: memref<32xi32, #tpu.memory_space<vmem>>, %arg12: memref<64x16xf32, #tpu.memory_space<vmem>>, %arg13: memref<16xf32, #tpu.memory_space<vmem>>, %arg14: memref<16x16xf32, #tpu.memory_space<vmem>>) attributes {dimension_semantics = [#tpu.dimension_semantics<core_parallel>, #tpu.dimension_semantics<subcore_parallel>], iteration_bounds = array<i64: 1, 16>, scalar_prefetch = 0 : i64, scratch_operands = 8 : i64, tpu.core_type = #tpu.core_type<sc_vector_subcore>, window_params = [{transform_indices = #map}, {transform_indices = #map}, {transform_indices = #map}, {transform_indices = #map}, {transform_indices = #map1}]} {
    %mul3A = arith.constant 2048 : i32
    %mul3A_0 = arith.muli %arg1, %mul3A : i32
    "tpu.region"() ({
      %run_scoped3A = tpu.sem_alloc : memref<!tpu.dma_semaphore, #tpu.memory_space<semaphore_mem>>
      %dma_start3A = tpu.memref_slice %arg2[%mul3A_0] : memref<32768xf32, #tpu.memory_space<hbm>> -> memref<2048xf32, #tpu.memory_space<hbm>>
      %dma_start3A_868 = tpu.memref_slice %arg2[%mul3A_0] : memref<32768xf32, #tpu.memory_space<hbm>> -> memref<2048xf32, #tpu.memory_space<hbm>>
      tpu.enqueue_dma source(%dma_start3A_868 : memref<2048xf32, #tpu.memory_space<hbm>>) target(%arg7 : memref<2048xf32, #tpu.memory_space<vmem>>) target_semaphore(%run_scoped3A : memref<!tpu.dma_semaphore, #tpu.memory_space<semaphore_mem>>)
      %dma_wait3A = tpu.memref_slice %arg2[%mul3A_0] : memref<32768xf32, #tpu.memory_space<hbm>> -> memref<2048xf32, #tpu.memory_space<hbm>>
      %dma_wait3A_869 = tpu.memref_slice %arg2[%mul3A_0] : memref<32768xf32, #tpu.memory_space<hbm>> -> memref<2048xf32, #tpu.memory_space<hbm>>
      tpu.wait_dma2 semaphore(%run_scoped3A : memref<!tpu.dma_semaphore, #tpu.memory_space<semaphore_mem>>) src(%dma_wait3A_869 : memref<2048xf32, #tpu.memory_space<hbm>>) dst(%arg7 : memref<2048xf32, #tpu.memory_space<vmem>>)
      tpu.yield
    }) : () -> ()
    "tpu.region"() ({
      %run_scoped3A = tpu.sem_alloc : memref<!tpu.dma_semaphore, #tpu.memory_space<semaphore_mem>>
      tpu.enqueue_dma source(%arg3 : memref<64xf32, #tpu.memory_space<hbm>>) target(%arg10 : memref<64xf32, #tpu.memory_space<vmem>>) target_semaphore(%run_scoped3A : memref<!tpu.dma_semaphore, #tpu.memory_space<semaphore_mem>>)
      tpu.wait_dma2 semaphore(%run_scoped3A : memref<!tpu.dma_semaphore, #tpu.memory_space<semaphore_mem>>) src(%arg3 : memref<64xf32, #tpu.memory_space<hbm>>) dst(%arg10 : memref<64xf32, #tpu.memory_space<vmem>>)
      tpu.yield
    }) : () -> ()
    "tpu.region"() ({
      %run_scoped3A = tpu.sem_alloc : memref<!tpu.dma_semaphore, #tpu.memory_space<semaphore_mem>>
      tpu.enqueue_dma source(%arg4 : memref<32xi32, #tpu.memory_space<hbm>>) target(%arg11 : memref<32xi32, #tpu.memory_space<vmem>>) target_semaphore(%run_scoped3A : memref<!tpu.dma_semaphore, #tpu.memory_space<semaphore_mem>>)
      tpu.wait_dma2 semaphore(%run_scoped3A : memref<!tpu.dma_semaphore, #tpu.memory_space<semaphore_mem>>) src(%arg4 : memref<32xi32, #tpu.memory_space<hbm>>) dst(%arg11 : memref<32xi32, #tpu.memory_space<vmem>>)
      tpu.yield
    }) : () -> ()
    %iota3A = tpu.iota {dimensions = array<i32: 0>} : vector<16xi32>
    %shift_right_arithmetic3A = arith.constant 2 : i32
    %shift_right_arithmetic3A_1 = vector.broadcast %shift_right_arithmetic3A : i32 to vector<16xi32>
    %shift_right_arithmetic3A_2 = arith.shrsi %iota3A, %shift_right_arithmetic3A_1 : vector<16xi32>
    %shift_left3A = arith.constant 2 : i32
    %shift_left3A_3 = vector.broadcast %shift_left3A : i32 to vector<16xi32>
    %shift_left3A_4 = arith.shli %shift_right_arithmetic3A_2, %shift_left3A_3 : vector<16xi32>
    %get3A = arith.constant 0 : index
    %get3A_5 = tpu.vector_load %arg10[%get3A] {strides = array<i32>} : memref<64xf32, #tpu.memory_space<vmem>>, vector<16xf32>,
    %get3A_6 = arith.constant 16 : index
    %get3A_7 = tpu.vector_load %arg10[%get3A_6] {strides = array<i32>} : memref<64xf32, #tpu.memory_space<vmem>>, vector<16xf32>,
    %get3A_8 = arith.constant 32 : index
    %get3A_9 = tpu.vector_load %arg10[%get3A_8] {strides = array<i32>} : memref<64xf32, #tpu.memory_space<vmem>>, vector<16xf32>,
    %get3A_10 = arith.constant 48 : index
    %get3A_11 = tpu.vector_load %arg10[%get3A_10] {strides = array<i32>} : memref<64xf32, #tpu.memory_space<vmem>>, vector<16xf32>,
    %broadcast_in_dim3A = arith.constant 0.000000e+00 : f32
    %broadcast_in_dim3A_12 = vector.broadcast %broadcast_in_dim3A : f32 to vector<16xf32>
    %swap3A = arith.constant 0 : i32
    %swap3A_13 = arith.index_cast %swap3A : i32 to index
    %swap3A_14 = arith.constant 0 : index
    %swap3A_15 = tpu.vector_load %arg12[%swap3A_13, %swap3A_14] {strides = array<i32>} : memref<64x16xf32, #tpu.memory_space<vmem>>, vector<16xf32>,
    tpu.vector_store %arg12[%swap3A_13, %swap3A_14], %broadcast_in_dim3A_12 {strides = array<i32>} : memref<64x16xf32, #tpu.memory_space<vmem>>, vector<16xf32>,
    %swap3A_16 = arith.constant 1 : i32
    %swap3A_17 = arith.index_cast %swap3A_16 : i32 to index
    %swap3A_18 = arith.constant 0 : index
    %swap3A_19 = tpu.vector_load %arg12[%swap3A_17, %swap3A_18] {strides = array<i32>} : memref<64x16xf32, #tpu.memory_space<vmem>>, vector<16xf32>,
    tpu.vector_store %arg12[%swap3A_17, %swap3A_18], %broadcast_in_dim3A_12 {strides = array<i32>} : memref<64x16xf32, #tpu.memory_space<vmem>>, vector<16xf32>,
    %swap3A_20 = arith.constant 2 : i32
    %swap3A_21 = arith.index_cast %swap3A_20 : i32 to index
    %swap3A_22 = arith.constant 0 : index
    %swap3A_23 = tpu.vector_load %arg12[%swap3A_21, %swap3A_22] {strides = array<i32>} : memref<64x16xf32, #tpu.memory_space<vmem>>, vector<16xf32>,
    tpu.vector_store %arg12[%swap3A_21, %swap3A_22], %broadcast_in_dim3A_12 {strides = array<i32>} : memref<64x16xf32, #tpu.memory_space<vmem>>, vector<16xf32>,
    %swap3A_24 = arith.constant 3 : i32
    %swap3A_25 = arith.index_cast %swap3A_24 : i32 to index
    %swap3A_26 = arith.constant 0 : index
    %swap3A_27 = tpu.vector_load %arg12[%swap3A_25, %swap3A_26] {strides = array<i32>} : memref<64x16xf32, #tpu.memory_space<vmem>>, vector<16xf32>,
    tpu.vector_store %arg12[%swap3A_25, %swap3A_26], %broadcast_in_dim3A_12 {strides = array<i32>} : memref<64x16xf32, #tpu.memory_space<vmem>>, vector<16xf32>,
    %swap3A_28 = arith.constant 4 : i32
    %swap3A_29 = arith.index_cast %swap3A_28 : i32 to index
    %swap3A_30 = arith.constant 0 : index
    %swap3A_31 = tpu.vector_load %arg12[%swap3A_29, %swap3A_30] {strides = array<i32>} : memref<64x16xf32, #tpu.memory_space<vmem>>, vector<16xf32>,
    tpu.vector_store %arg12[%swap3A_29, %swap3A_30], %broadcast_in_dim3A_12 {strides = array<i32>} : memref<64x16xf32, #tpu.memory_space<vmem>>, vector<16xf32>,
    %swap3A_32 = arith.constant 5 : i32
    %swap3A_33 = arith.index_cast %swap3A_32 : i32 to index
    %swap3A_34 = arith.constant 0 : index
    %swap3A_35 = tpu.vector_load %arg12[%swap3A_33, %swap3A_34] {strides = array<i32>} : memref<64x16xf32, #tpu.memory_space<vmem>>, vector<16xf32>,
    tpu.vector_store %arg12[%swap3A_33, %swap3A_34], %broadcast_in_dim3A_12 {strides = array<i32>} : memref<64x16xf32, #tpu.memory_space<vmem>>, vector<16xf32>,
    %swap3A_36 = arith.constant 6 : i32
    %swap3A_37 = arith.index_cast %swap3A_36 : i32 to index
    %swap3A_38 = arith.constant 0 : index
    %swap3A_39 = tpu.vector_load %arg12[%swap3A_37, %swap3A_38] {strides = array<i32>} : memref<64x16xf32, #tpu.memory_space<vmem>>, vector<16xf32>,
    tpu.vector_store %arg12[%swap3A_37, %swap3A_38], %broadcast_in_dim3A_12 {strides = array<i32>} : memref<64x16xf32, #tpu.memory_space<vmem>>, vector<16xf32>,
    %swap3A_40 = arith.constant 7 : i32
    %swap3A_41 = arith.index_cast %swap3A_40 : i32 to index
    %swap3A_42 = arith.constant 0 : index
    %swap3A_43 = tpu.vector_load %arg12[%swap3A_41, %swap3A_42] {strides = array<i32>} : memref<64x16xf32, #tpu.memory_space<vmem>>, vector<16xf32>,
    tpu.vector_store %arg12[%swap3A_41, %swap3A_42], %broadcast_in_dim3A_12 {strides = array<i32>} : memref<64x16xf32, #tpu.memory_space<vmem>>, vector<16xf32>,
    %swap3A_44 = arith.constant 8 : i32
    %swap3A_45 = arith.index_cast %swap3A_44 : i32 to index
    %swap3A_46 = arith.constant 0 : index
    %swap3A_47 = tpu.vector_load %arg12[%swap3A_45, %swap3A_46] {strides = array<i32>} : memref<64x16xf32, #tpu.memory_space<vmem>>, vector<16xf32>,
    tpu.vector_store %arg12[%swap3A_45, %swap3A_46], %broadcast_in_dim3A_12 {strides = array<i32>} : memref<64x16xf32, #tpu.memory_space<vmem>>, vector<16xf32>,
    %swap3A_48 = arith.constant 9 : i32
    %swap3A_49 = arith.index_cast %swap3A_48 : i32 to index
    %swap3A_50 = arith.constant 0 : index
    %swap3A_51 = tpu.vector_load %arg12[%swap3A_49, %swap3A_50] {strides = array<i32>} : memref<64x16xf32, #tpu.memory_space<vmem>>, vector<16xf32>,
    tpu.vector_store %arg12[%swap3A_49, %swap3A_50], %broadcast_in_dim3A_12 {strides = array<i32>} : memref<64x16xf32, #tpu.memory_space<vmem>>, vector<16xf32>,
    %swap3A_52 = arith.constant 10 : i32
    %swap3A_53 = arith.index_cast %swap3A_52 : i32 to index
    %swap3A_54 = arith.constant 0 : index
    %swap3A_55 = tpu.vector_load %arg12[%swap3A_53, %swap3A_54] {strides = array<i32>} : memref<64x16xf32, #tpu.memory_space<vmem>>, vector<16xf32>,
    tpu.vector_store %arg12[%swap3A_53, %swap3A_54], %broadcast_in_dim3A_12 {strides = array<i32>} : memref<64x16xf32, #tpu.memory_space<vmem>>, vector<16xf32>,
    %swap3A_56 = arith.constant 11 : i32
    %swap3A_57 = arith.index_cast %swap3A_56 : i32 to index
    %swap3A_58 = arith.constant 0 : index
    %swap3A_59 = tpu.vector_load %arg12[%swap3A_57, %swap3A_58] {strides = array<i32>} : memref<64x16xf32, #tpu.memory_space<vmem>>, vector<16xf32>,
    tpu.vector_store %arg12[%swap3A_57, %swap3A_58], %broadcast_in_dim3A_12 {strides = array<i32>} : memref<64x16xf32, #tpu.memory_space<vmem>>, vector<16xf32>,
    %swap3A_60 = arith.constant 12 : i32
    %swap3A_61 = arith.index_cast %swap3A_60 : i32 to index
    %swap3A_62 = arith.constant 0 : index
    %swap3A_63 = tpu.vector_load %arg12[%swap3A_61, %swap3A_62] {strides = array<i32>} : memref<64x16xf32, #tpu.memory_space<vmem>>, vector<16xf32>,
    tpu.vector_store %arg12[%swap3A_61, %swap3A_62], %broadcast_in_dim3A_12 {strides = array<i32>} : memref<64x16xf32, #tpu.memory_space<vmem>>, vector<16xf32>,
    %swap3A_64 = arith.constant 13 : i32
    %swap3A_65 = arith.index_cast %swap3A_64 : i32 to index
    %swap3A_66 = arith.constant 0 : index
    %swap3A_67 = tpu.vector_load %arg12[%swap3A_65, %swap3A_66] {strides = array<i32>} : memref<64x16xf32, #tpu.memory_space<vmem>>, vector<16xf32>,
    tpu.vector_store %arg12[%swap3A_65, %swap3A_66], %broadcast_in_dim3A_12 {strides = array<i32>} : memref<64x16xf32, #tpu.memory_space<vmem>>, vector<16xf32>,
    %swap3A_68 = arith.constant 14 : i32
    %swap3A_69 = arith.index_cast %swap3A_68 : i32 to index
    %swap3A_70 = arith.constant 0 : index
    %swap3A_71 = tpu.vector_load %arg12[%swap3A_69, %swap3A_70] {strides = array<i32>} : memref<64x16xf32, #tpu.memory_space<vmem>>, vector<16xf32>,
    tpu.vector_store %arg12[%swap3A_69, %swap3A_70], %broadcast_in_dim3A_12 {strides = array<i32>} : memref<64x16xf32, #tpu.memory_space<vmem>>, vector<16xf32>,
    %swap3A_72 = arith.constant 15 : i32
    %swap3A_73 = arith.index_cast %swap3A_72 : i32 to index
    %swap3A_74 = arith.constant 0 : index
    %swap3A_75 = tpu.vector_load %arg12[%swap3A_73, %swap3A_74] {strides = array<i32>} : memref<64x16xf32, #tpu.memory_space<vmem>>, vector<16xf32>,
    tpu.vector_store %arg12[%swap3A_73, %swap3A_74], %broadcast_in_dim3A_12 {strides = array<i32>} : memref<64x16xf32, #tpu.memory_space<vmem>>, vector<16xf32>,
    %swap3A_76 = arith.constant 16 : i32
    %swap3A_77 = arith.index_cast %swap3A_76 : i32 to index
    %swap3A_78 = arith.constant 0 : index
    %swap3A_79 = tpu.vector_load %arg12[%swap3A_77, %swap3A_78] {strides = array<i32>} : memref<64x16xf32, #tpu.memory_space<vmem>>, vector<16xf32>,
    tpu.vector_store %arg12[%swap3A_77, %swap3A_78], %broadcast_in_dim3A_12 {strides = array<i32>} : memref<64x16xf32, #tpu.memory_space<vmem>>, vector<16xf32>,
    %swap3A_80 = arith.constant 17 : i32
    %swap3A_81 = arith.index_cast %swap3A_80 : i32 to index
    %swap3A_82 = arith.constant 0 : index
    %swap3A_83 = tpu.vector_load %arg12[%swap3A_81, %swap3A_82] {strides = array<i32>} : memref<64x16xf32, #tpu.memory_space<vmem>>, vector<16xf32>,
    tpu.vector_store %arg12[%swap3A_81, %swap3A_82], %broadcast_in_dim3A_12 {strides = array<i32>} : memref<64x16xf32, #tpu.memory_space<vmem>>, vector<16xf32>,
    %swap3A_84 = arith.constant 18 : i32
    %swap3A_85 = arith.index_cast %swap3A_84 : i32 to index
    %swap3A_86 = arith.constant 0 : index
    %swap3A_87 = tpu.vector_load %arg12[%swap3A_85, %swap3A_86] {strides = array<i32>} : memref<64x16xf32, #tpu.memory_space<vmem>>, vector<16xf32>,
    tpu.vector_store %arg12[%swap3A_85, %swap3A_86], %broadcast_in_dim3A_12 {strides = array<i32>} : memref<64x16xf32, #tpu.memory_space<vmem>>, vector<16xf32>,
    %swap3A_88 = arith.constant 19 : i32
    %swap3A_89 = arith.index_cast %swap3A_88 : i32 to index
    %swap3A_90 = arith.constant 0 : index
    %swap3A_91 = tpu.vector_load %arg12[%swap3A_89, %swap3A_90] {strides = array<i32>} : memref<64x16xf32, #tpu.memory_space<vmem>>, vector<16xf32>,
    tpu.vector_store %arg12[%swap3A_89, %swap3A_90], %broadcast_in_dim3A_12 {strides = array<i32>} : memref<64x16xf32, #tpu.memory_space<vmem>>, vector<16xf32>,
    %swap3A_92 = arith.constant 20 : i32
    %swap3A_93 = arith.index_cast %swap3A_92 : i32 to index
    %swap3A_94 = arith.constant 0 : index
    %swap3A_95 = tpu.vector_load %arg12[%swap3A_93, %swap3A_94] {strides = array<i32>} : memref<64x16xf32, #tpu.memory_space<vmem>>, vector<16xf32>,
    tpu.vector_store %arg12[%swap3A_93, %swap3A_94], %broadcast_in_dim3A_12 {strides = array<i32>} : memref<64x16xf32, #tpu.memory_space<vmem>>, vector<16xf32>,
    %swap3A_96 = arith.constant 21 : i32
    %swap3A_97 = arith.index_cast %swap3A_96 : i32 to index
    %swap3A_98 = arith.constant 0 : index
    %swap3A_99 = tpu.vector_load %arg12[%swap3A_97, %swap3A_98] {strides = array<i32>} : memref<64x16xf32, #tpu.memory_space<vmem>>, vector<16xf32>,
    tpu.vector_store %arg12[%swap3A_97, %swap3A_98], %broadcast_in_dim3A_12 {strides = array<i32>} : memref<64x16xf32, #tpu.memory_space<vmem>>, vector<16xf32>,
    %swap3A_100 = arith.constant 22 : i32
    %swap3A_101 = arith.index_cast %swap3A_100 : i32 to index
    %swap3A_102 = arith.constant 0 : index
    %swap3A_103 = tpu.vector_load %arg12[%swap3A_101, %swap3A_102] {strides = array<i32>} : memref<64x16xf32, #tpu.memory_space<vmem>>, vector<16xf32>,
    tpu.vector_store %arg12[%swap3A_101, %swap3A_102], %broadcast_in_dim3A_12 {strides = array<i32>} : memref<64x16xf32, #tpu.memory_space<vmem>>, vector<16xf32>,
    %swap3A_104 = arith.constant 23 : i32
    %swap3A_105 = arith.index_cast %swap3A_104 : i32 to index
    %swap3A_106 = arith.constant 0 : index
    %swap3A_107 = tpu.vector_load %arg12[%swap3A_105, %swap3A_106] {strides = array<i32>} : memref<64x16xf32, #tpu.memory_space<vmem>>, vector<16xf32>,
    tpu.vector_store %arg12[%swap3A_105, %swap3A_106], %broadcast_in_dim3A_12 {strides = array<i32>} : memref<64x16xf32, #tpu.memory_space<vmem>>, vector<16xf32>,
    %swap3A_108 = arith.constant 24 : i32
    %swap3A_109 = arith.index_cast %swap3A_108 : i32 to index
    %swap3A_110 = arith.constant 0 : index
    %swap3A_111 = tpu.vector_load %arg12[%swap3A_109, %swap3A_110] {strides = array<i32>} : memref<64x16xf32, #tpu.memory_space<vmem>>, vector<16xf32>,
    tpu.vector_store %arg12[%swap3A_109, %swap3A_110], %broadcast_in_dim3A_12 {strides = array<i32>} : memref<64x16xf32, #tpu.memory_space<vmem>>, vector<16xf32>,
    %swap3A_112 = arith.constant 25 : i32
    %swap3A_113 = arith.index_cast %swap3A_112 : i32 to index
    %swap3A_114 = arith.constant 0 : index
    %swap3A_115 = tpu.vector_load %arg12[%swap3A_113, %swap3A_114] {strides = array<i32>} : memref<64x16xf32, #tpu.memory_space<vmem>>, vector<16xf32>,
    tpu.vector_store %arg12[%swap3A_113, %swap3A_114], %broadcast_in_dim3A_12 {strides = array<i32>} : memref<64x16xf32, #tpu.memory_space<vmem>>, vector<16xf32>,
    %swap3A_116 = arith.constant 26 : i32
    %swap3A_117 = arith.index_cast %swap3A_116 : i32 to index
    %swap3A_118 = arith.constant 0 : index
    %swap3A_119 = tpu.vector_load %arg12[%swap3A_117, %swap3A_118] {strides = array<i32>} : memref<64x16xf32, #tpu.memory_space<vmem>>, vector<16xf32>,
    tpu.vector_store %arg12[%swap3A_117, %swap3A_118], %broadcast_in_dim3A_12 {strides = array<i32>} : memref<64x16xf32, #tpu.memory_space<vmem>>, vector<16xf32>,
    %swap3A_120 = arith.constant 27 : i32
    %swap3A_121 = arith.index_cast %swap3A_120 : i32 to index
    %swap3A_122 = arith.constant 0 : index
    %swap3A_123 = tpu.vector_load %arg12[%swap3A_121, %swap3A_122] {strides = array<i32>} : memref<64x16xf32, #tpu.memory_space<vmem>>, vector<16xf32>,
    tpu.vector_store %arg12[%swap3A_121, %swap3A_122], %broadcast_in_dim3A_12 {strides = array<i32>} : memref<64x16xf32, #tpu.memory_space<vmem>>, vector<16xf32>,
    %swap3A_124 = arith.constant 28 : i32
    %swap3A_125 = arith.index_cast %swap3A_124 : i32 to index
    %swap3A_126 = arith.constant 0 : index
    %swap3A_127 = tpu.vector_load %arg12[%swap3A_125, %swap3A_126] {strides = array<i32>} : memref<64x16xf32, #tpu.memory_space<vmem>>, vector<16xf32>,
    tpu.vector_store %arg12[%swap3A_125, %swap3A_126], %broadcast_in_dim3A_12 {strides = array<i32>} : memref<64x16xf32, #tpu.memory_space<vmem>>, vector<16xf32>,
    %swap3A_128 = arith.constant 29 : i32
    %swap3A_129 = arith.index_cast %swap3A_128 : i32 to index
    %swap3A_130 = arith.constant 0 : index
    %swap3A_131 = tpu.vector_load %arg12[%swap3A_129, %swap3A_130] {strides = array<i32>} : memref<64x16xf32, #tpu.memory_space<vmem>>, vector<16xf32>,
    tpu.vector_store %arg12[%swap3A_129, %swap3A_130], %broadcast_in_dim3A_12 {strides = array<i32>} : memref<64x16xf32, #tpu.memory_space<vmem>>, vector<16xf32>,
    %swap3A_132 = arith.constant 30 : i32
    %swap3A_133 = arith.index_cast %swap3A_132 : i32 to index
    %swap3A_134 = arith.constant 0 : index
    %swap3A_135 = tpu.vector_load %arg12[%swap3A_133, %swap3A_134] {strides = array<i32>} : memref<64x16xf32, #tpu.memory_space<vmem>>, vector<16xf32>,
    tpu.vector_store %arg12[%swap3A_133, %swap3A_134], %broadcast_in_dim3A_12 {strides = array<i32>} : memref<64x16xf32, #tpu.memory_space<vmem>>, vector<16xf32>,
    %swap3A_136 = arith.constant 31 : i32
    %swap3A_137 = arith.index_cast %swap3A_136 : i32 to index
    %swap3A_138 = arith.constant 0 : index
    %swap3A_139 = tpu.vector_load %arg12[%swap3A_137, %swap3A_138] {strides = array<i32>} : memref<64x16xf32, #tpu.memory_space<vmem>>, vector<16xf32>,
    tpu.vector_store %arg12[%swap3A_137, %swap3A_138], %broadcast_in_dim3A_12 {strides = array<i32>} : memref<64x16xf32, #tpu.memory_space<vmem>>, vector<16xf32>,
    %swap3A_140 = arith.constant 32 : i32
    %swap3A_141 = arith.index_cast %swap3A_140 : i32 to index
    %swap3A_142 = arith.constant 0 : index
    %swap3A_143 = tpu.vector_load %arg12[%swap3A_141, %swap3A_142] {strides = array<i32>} : memref<64x16xf32, #tpu.memory_space<vmem>>, vector<16xf32>,
    tpu.vector_store %arg12[%swap3A_141, %swap3A_142], %broadcast_in_dim3A_12 {strides = array<i32>} : memref<64x16xf32, #tpu.memory_space<vmem>>, vector<16xf32>,
    %swap3A_144 = arith.constant 33 : i32
    %swap3A_145 = arith.index_cast %swap3A_144 : i32 to index
    %swap3A_146 = arith.constant 0 : index
    %swap3A_147 = tpu.vector_load %arg12[%swap3A_145, %swap3A_146] {strides = array<i32>} : memref<64x16xf32, #tpu.memory_space<vmem>>, vector<16xf32>,
    tpu.vector_store %arg12[%swap3A_145, %swap3A_146], %broadcast_in_dim3A_12 {strides = array<i32>} : memref<64x16xf32, #tpu.memory_space<vmem>>, vector<16xf32>,
    %swap3A_148 = arith.constant 34 : i32
    %swap3A_149 = arith.index_cast %swap3A_148 : i32 to index
    %swap3A_150 = arith.constant 0 : index
    %swap3A_151 = tpu.vector_load %arg12[%swap3A_149, %swap3A_150] {strides = array<i32>} : memref<64x16xf32, #tpu.memory_space<vmem>>, vector<16xf32>,
    tpu.vector_store %arg12[%swap3A_149, %swap3A_150], %broadcast_in_dim3A_12 {strides = array<i32>} : memref<64x16xf32, #tpu.memory_space<vmem>>, vector<16xf32>,
    %swap3A_152 = arith.constant 35 : i32
    %swap3A_153 = arith.index_cast %swap3A_152 : i32 to index
    %swap3A_154 = arith.constant 0 : index
    %swap3A_155 = tpu.vector_load %arg12[%swap3A_153, %swap3A_154] {strides = array<i32>} : memref<64x16xf32, #tpu.memory_space<vmem>>, vector<16xf32>,
    tpu.vector_store %arg12[%swap3A_153, %swap3A_154], %broadcast_in_dim3A_12 {strides = array<i32>} : memref<64x16xf32, #tpu.memory_space<vmem>>, vector<16xf32>,
    %swap3A_156 = arith.constant 36 : i32
    %swap3A_157 = arith.index_cast %swap3A_156 : i32 to index
    %swap3A_158 = arith.constant 0 : index
    %swap3A_159 = tpu.vector_load %arg12[%swap3A_157, %swap3A_158] {strides = array<i32>} : memref<64x16xf32, #tpu.memory_space<vmem>>, vector<16xf32>,
    tpu.vector_store %arg12[%swap3A_157, %swap3A_158], %broadcast_in_dim3A_12 {strides = array<i32>} : memref<64x16xf32, #tpu.memory_space<vmem>>, vector<16xf32>,
    %swap3A_160 = arith.constant 37 : i32
    %swap3A_161 = arith.index_cast %swap3A_160 : i32 to index
    %swap3A_162 = arith.constant 0 : index
    %swap3A_163 = tpu.vector_load %arg12[%swap3A_161, %swap3A_162] {strides = array<i32>} : memref<64x16xf32, #tpu.memory_space<vmem>>, vector<16xf32>,
    tpu.vector_store %arg12[%swap3A_161, %swap3A_162], %broadcast_in_dim3A_12 {strides = array<i32>} : memref<64x16xf32, #tpu.memory_space<vmem>>, vector<16xf32>,
    %swap3A_164 = arith.constant 38 : i32
    %swap3A_165 = arith.index_cast %swap3A_164 : i32 to index
    %swap3A_166 = arith.constant 0 : index
    %swap3A_167 = tpu.vector_load %arg12[%swap3A_165, %swap3A_166] {strides = array<i32>} : memref<64x16xf32, #tpu.memory_space<vmem>>, vector<16xf32>,
    tpu.vector_store %arg12[%swap3A_165, %swap3A_166], %broadcast_in_dim3A_12 {strides = array<i32>} : memref<64x16xf32, #tpu.memory_space<vmem>>, vector<16xf32>,
    %swap3A_168 = arith.constant 39 : i32
    %swap3A_169 = arith.index_cast %swap3A_168 : i32 to index
    %swap3A_170 = arith.constant 0 : index
    %swap3A_171 = tpu.vector_load %arg12[%swap3A_169, %swap3A_170] {strides = array<i32>} : memref<64x16xf32, #tpu.memory_space<vmem>>, vector<16xf32>,
    tpu.vector_store %arg12[%swap3A_169, %swap3A_170], %broadcast_in_dim3A_12 {strides = array<i32>} : memref<64x16xf32, #tpu.memory_space<vmem>>, vector<16xf32>,
    %swap3A_172 = arith.constant 40 : i32
    %swap3A_173 = arith.index_cast %swap3A_172 : i32 to index
    %swap3A_174 = arith.constant 0 : index
    %swap3A_175 = tpu.vector_load %arg12[%swap3A_173, %swap3A_174] {strides = array<i32>} : memref<64x16xf32, #tpu.memory_space<vmem>>, vector<16xf32>,
    tpu.vector_store %arg12[%swap3A_173, %swap3A_174], %broadcast_in_dim3A_12 {strides = array<i32>} : memref<64x16xf32, #tpu.memory_space<vmem>>, vector<16xf32>,
    %swap3A_176 = arith.constant 41 : i32
    %swap3A_177 = arith.index_cast %swap3A_176 : i32 to index
    %swap3A_178 = arith.constant 0 : index
    %swap3A_179 = tpu.vector_load %arg12[%swap3A_177, %swap3A_178] {strides = array<i32>} : memref<64x16xf32, #tpu.memory_space<vmem>>, vector<16xf32>,
    tpu.vector_store %arg12[%swap3A_177, %swap3A_178], %broadcast_in_dim3A_12 {strides = array<i32>} : memref<64x16xf32, #tpu.memory_space<vmem>>, vector<16xf32>,
    %swap3A_180 = arith.constant 42 : i32
    %swap3A_181 = arith.index_cast %swap3A_180 : i32 to index
    %swap3A_182 = arith.constant 0 : index
    %swap3A_183 = tpu.vector_load %arg12[%swap3A_181, %swap3A_182] {strides = array<i32>} : memref<64x16xf32, #tpu.memory_space<vmem>>, vector<16xf32>,
    tpu.vector_store %arg12[%swap3A_181, %swap3A_182], %broadcast_in_dim3A_12 {strides = array<i32>} : memref<64x16xf32, #tpu.memory_space<vmem>>, vector<16xf32>,
    %swap3A_184 = arith.constant 43 : i32
    %swap3A_185 = arith.index_cast %swap3A_184 : i32 to index
    %swap3A_186 = arith.constant 0 : index
    %swap3A_187 = tpu.vector_load %arg12[%swap3A_185, %swap3A_186] {strides = array<i32>} : memref<64x16xf32, #tpu.memory_space<vmem>>, vector<16xf32>,
    tpu.vector_store %arg12[%swap3A_185, %swap3A_186], %broadcast_in_dim3A_12 {strides = array<i32>} : memref<64x16xf32, #tpu.memory_space<vmem>>, vector<16xf32>,
    %swap3A_188 = arith.constant 44 : i32
    %swap3A_189 = arith.index_cast %swap3A_188 : i32 to index
    %swap3A_190 = arith.constant 0 : index
    %swap3A_191 = tpu.vector_load %arg12[%swap3A_189, %swap3A_190] {strides = array<i32>} : memref<64x16xf32, #tpu.memory_space<vmem>>, vector<16xf32>,
    tpu.vector_store %arg12[%swap3A_189, %swap3A_190], %broadcast_in_dim3A_12 {strides = array<i32>} : memref<64x16xf32, #tpu.memory_space<vmem>>, vector<16xf32>,
    %swap3A_192 = arith.constant 45 : i32
    %swap3A_193 = arith.index_cast %swap3A_192 : i32 to index
    %swap3A_194 = arith.constant 0 : index
    %swap3A_195 = tpu.vector_load %arg12[%swap3A_193, %swap3A_194] {strides = array<i32>} : memref<64x16xf32, #tpu.memory_space<vmem>>, vector<16xf32>,
    tpu.vector_store %arg12[%swap3A_193, %swap3A_194], %broadcast_in_dim3A_12 {strides = array<i32>} : memref<64x16xf32, #tpu.memory_space<vmem>>, vector<16xf32>,
    %swap3A_196 = arith.constant 46 : i32
    %swap3A_197 = arith.index_cast %swap3A_196 : i32 to index
    %swap3A_198 = arith.constant 0 : index
    %swap3A_199 = tpu.vector_load %arg12[%swap3A_197, %swap3A_198] {strides = array<i32>} : memref<64x16xf32, #tpu.memory_space<vmem>>, vector<16xf32>,
    tpu.vector_store %arg12[%swap3A_197, %swap3A_198], %broadcast_in_dim3A_12 {strides = array<i32>} : memref<64x16xf32, #tpu.memory_space<vmem>>, vector<16xf32>,
    %swap3A_200 = arith.constant 47 : i32
    %swap3A_201 = arith.index_cast %swap3A_200 : i32 to index
    %swap3A_202 = arith.constant 0 : index
    %swap3A_203 = tpu.vector_load %arg12[%swap3A_201, %swap3A_202] {strides = array<i32>} : memref<64x16xf32, #tpu.memory_space<vmem>>, vector<16xf32>,
    tpu.vector_store %arg12[%swap3A_201, %swap3A_202], %broadcast_in_dim3A_12 {strides = array<i32>} : memref<64x16xf32, #tpu.memory_space<vmem>>, vector<16xf32>,
    %swap3A_204 = arith.constant 48 : i32
    %swap3A_205 = arith.index_cast %swap3A_204 : i32 to index
    %swap3A_206 = arith.constant 0 : index
    %swap3A_207 = tpu.vector_load %arg12[%swap3A_205, %swap3A_206] {strides = array<i32>} : memref<64x16xf32, #tpu.memory_space<vmem>>, vector<16xf32>,
    tpu.vector_store %arg12[%swap3A_205, %swap3A_206], %broadcast_in_dim3A_12 {strides = array<i32>} : memref<64x16xf32, #tpu.memory_space<vmem>>, vector<16xf32>,
    %swap3A_208 = arith.constant 49 : i32
    %swap3A_209 = arith.index_cast %swap3A_208 : i32 to index
    %swap3A_210 = arith.constant 0 : index
    %swap3A_211 = tpu.vector_load %arg12[%swap3A_209, %swap3A_210] {strides = array<i32>} : memref<64x16xf32, #tpu.memory_space<vmem>>, vector<16xf32>,
    tpu.vector_store %arg12[%swap3A_209, %swap3A_210], %broadcast_in_dim3A_12 {strides = array<i32>} : memref<64x16xf32, #tpu.memory_space<vmem>>, vector<16xf32>,
    %swap3A_212 = arith.constant 50 : i32
    %swap3A_213 = arith.index_cast %swap3A_212 : i32 to index
    %swap3A_214 = arith.constant 0 : index
    %swap3A_215 = tpu.vector_load %arg12[%swap3A_213, %swap3A_214] {strides = array<i32>} : memref<64x16xf32, #tpu.memory_space<vmem>>, vector<16xf32>,
    tpu.vector_store %arg12[%swap3A_213, %swap3A_214], %broadcast_in_dim3A_12 {strides = array<i32>} : memref<64x16xf32, #tpu.memory_space<vmem>>, vector<16xf32>,
    %swap3A_216 = arith.constant 51 : i32
    %swap3A_217 = arith.index_cast %swap3A_216 : i32 to index
    %swap3A_218 = arith.constant 0 : index
    %swap3A_219 = tpu.vector_load %arg12[%swap3A_217, %swap3A_218] {strides = array<i32>} : memref<64x16xf32, #tpu.memory_space<vmem>>, vector<16xf32>,
    tpu.vector_store %arg12[%swap3A_217, %swap3A_218], %broadcast_in_dim3A_12 {strides = array<i32>} : memref<64x16xf32, #tpu.memory_space<vmem>>, vector<16xf32>,
    %swap3A_220 = arith.constant 52 : i32
    %swap3A_221 = arith.index_cast %swap3A_220 : i32 to index
    %swap3A_222 = arith.constant 0 : index
    %swap3A_223 = tpu.vector_load %arg12[%swap3A_221, %swap3A_222] {strides = array<i32>} : memref<64x16xf32, #tpu.memory_space<vmem>>, vector<16xf32>,
    tpu.vector_store %arg12[%swap3A_221, %swap3A_222], %broadcast_in_dim3A_12 {strides = array<i32>} : memref<64x16xf32, #tpu.memory_space<vmem>>, vector<16xf32>,
    %swap3A_224 = arith.constant 53 : i32
    %swap3A_225 = arith.index_cast %swap3A_224 : i32 to index
    %swap3A_226 = arith.constant 0 : index
    %swap3A_227 = tpu.vector_load %arg12[%swap3A_225, %swap3A_226] {strides = array<i32>} : memref<64x16xf32, #tpu.memory_space<vmem>>, vector<16xf32>,
    tpu.vector_store %arg12[%swap3A_225, %swap3A_226], %broadcast_in_dim3A_12 {strides = array<i32>} : memref<64x16xf32, #tpu.memory_space<vmem>>, vector<16xf32>,
    %swap3A_228 = arith.constant 54 : i32
    %swap3A_229 = arith.index_cast %swap3A_228 : i32 to index
    %swap3A_230 = arith.constant 0 : index
    %swap3A_231 = tpu.vector_load %arg12[%swap3A_229, %swap3A_230] {strides = array<i32>} : memref<64x16xf32, #tpu.memory_space<vmem>>, vector<16xf32>,
    tpu.vector_store %arg12[%swap3A_229, %swap3A_230], %broadcast_in_dim3A_12 {strides = array<i32>} : memref<64x16xf32, #tpu.memory_space<vmem>>, vector<16xf32>,
    %swap3A_232 = arith.constant 55 : i32
    %swap3A_233 = arith.index_cast %swap3A_232 : i32 to index
    %swap3A_234 = arith.constant 0 : index
    %swap3A_235 = tpu.vector_load %arg12[%swap3A_233, %swap3A_234] {strides = array<i32>} : memref<64x16xf32, #tpu.memory_space<vmem>>, vector<16xf32>,
    tpu.vector_store %arg12[%swap3A_233, %swap3A_234], %broadcast_in_dim3A_12 {strides = array<i32>} : memref<64x16xf32, #tpu.memory_space<vmem>>, vector<16xf32>,
    %swap3A_236 = arith.constant 56 : i32
    %swap3A_237 = arith.index_cast %swap3A_236 : i32 to index
    %swap3A_238 = arith.constant 0 : index
    %swap3A_239 = tpu.vector_load %arg12[%swap3A_237, %swap3A_238] {strides = array<i32>} : memref<64x16xf32, #tpu.memory_space<vmem>>, vector<16xf32>,
    tpu.vector_store %arg12[%swap3A_237, %swap3A_238], %broadcast_in_dim3A_12 {strides = array<i32>} : memref<64x16xf32, #tpu.memory_space<vmem>>, vector<16xf32>,
    %swap3A_240 = arith.constant 57 : i32
    %swap3A_241 = arith.index_cast %swap3A_240 : i32 to index
    %swap3A_242 = arith.constant 0 : index
    %swap3A_243 = tpu.vector_load %arg12[%swap3A_241, %swap3A_242] {strides = array<i32>} : memref<64x16xf32, #tpu.memory_space<vmem>>, vector<16xf32>,
    tpu.vector_store %arg12[%swap3A_241, %swap3A_242], %broadcast_in_dim3A_12 {strides = array<i32>} : memref<64x16xf32, #tpu.memory_space<vmem>>, vector<16xf32>,
    %swap3A_244 = arith.constant 58 : i32
    %swap3A_245 = arith.index_cast %swap3A_244 : i32 to index
    %swap3A_246 = arith.constant 0 : index
    %swap3A_247 = tpu.vector_load %arg12[%swap3A_245, %swap3A_246] {strides = array<i32>} : memref<64x16xf32, #tpu.memory_space<vmem>>, vector<16xf32>,
    tpu.vector_store %arg12[%swap3A_245, %swap3A_246], %broadcast_in_dim3A_12 {strides = array<i32>} : memref<64x16xf32, #tpu.memory_space<vmem>>, vector<16xf32>,
    %swap3A_248 = arith.constant 59 : i32
    %swap3A_249 = arith.index_cast %swap3A_248 : i32 to index
    %swap3A_250 = arith.constant 0 : index
    %swap3A_251 = tpu.vector_load %arg12[%swap3A_249, %swap3A_250] {strides = array<i32>} : memref<64x16xf32, #tpu.memory_space<vmem>>, vector<16xf32>,
    tpu.vector_store %arg12[%swap3A_249, %swap3A_250], %broadcast_in_dim3A_12 {strides = array<i32>} : memref<64x16xf32, #tpu.memory_space<vmem>>, vector<16xf32>,
    %swap3A_252 = arith.constant 60 : i32
    %swap3A_253 = arith.index_cast %swap3A_252 : i32 to index
    %swap3A_254 = arith.constant 0 : index
    %swap3A_255 = tpu.vector_load %arg12[%swap3A_253, %swap3A_254] {strides = array<i32>} : memref<64x16xf32, #tpu.memory_space<vmem>>, vector<16xf32>,
    tpu.vector_store %arg12[%swap3A_253, %swap3A_254], %broadcast_in_dim3A_12 {strides = array<i32>} : memref<64x16xf32, #tpu.memory_space<vmem>>, vector<16xf32>,
    %swap3A_256 = arith.constant 61 : i32
    %swap3A_257 = arith.index_cast %swap3A_256 : i32 to index
    %swap3A_258 = arith.constant 0 : index
    %swap3A_259 = tpu.vector_load %arg12[%swap3A_257, %swap3A_258] {strides = array<i32>} : memref<64x16xf32, #tpu.memory_space<vmem>>, vector<16xf32>,
    tpu.vector_store %arg12[%swap3A_257, %swap3A_258], %broadcast_in_dim3A_12 {strides = array<i32>} : memref<64x16xf32, #tpu.memory_space<vmem>>, vector<16xf32>,
    %swap3A_260 = arith.constant 62 : i32
    %swap3A_261 = arith.index_cast %swap3A_260 : i32 to index
    %swap3A_262 = arith.constant 0 : index
    %swap3A_263 = tpu.vector_load %arg12[%swap3A_261, %swap3A_262] {strides = array<i32>} : memref<64x16xf32, #tpu.memory_space<vmem>>, vector<16xf32>,
    tpu.vector_store %arg12[%swap3A_261, %swap3A_262], %broadcast_in_dim3A_12 {strides = array<i32>} : memref<64x16xf32, #tpu.memory_space<vmem>>, vector<16xf32>,
    %swap3A_264 = arith.constant 63 : i32
    %swap3A_265 = arith.index_cast %swap3A_264 : i32 to index
    %swap3A_266 = arith.constant 0 : index
    %swap3A_267 = tpu.vector_load %arg12[%swap3A_265, %swap3A_266] {strides = array<i32>} : memref<64x16xf32, #tpu.memory_space<vmem>>, vector<16xf32>,
    tpu.vector_store %arg12[%swap3A_265, %swap3A_266], %broadcast_in_dim3A_12 {strides = array<i32>} : memref<64x16xf32, #tpu.memory_space<vmem>>, vector<16xf32>,
    %scan3A = arith.constant 0 : i32
    %scan3A_268 = arith.constant 0 : i32
    %scan3A_269 = arith.constant 32 : i32
    %scan3A_270 = arith.addi %scan3A_268, %scan3A_269 : i32
    %scan3A_271 = arith.constant 1 : i32
    scf.for %scan3A_868 = %scan3A_268 to %scan3A_270 step %scan3A_271  : i32 {
      %mul3A_869 = arith.constant 4 : i32
      %mul3A_870 = arith.muli %scan3A_868, %mul3A_869 : i32
      %add3A_871 = arith.constant 0 : i32
      %add3A_872 = arith.addi %mul3A_870, %add3A_871 : i32
      %mul3A_873 = arith.constant 16 : i32
      %mul3A_874 = arith.muli %add3A_872, %mul3A_873 : i32
      %add3A_875 = vector.broadcast %mul3A_874 : i32 to vector<16xi32>
      %add3A_876 = arith.addi %add3A_875, %shift_left3A_4 : vector<16xi32>
      %gather3A = tpu.vector_load_idx %arg7[%add3A_876] : memref<2048xf32, #tpu.memory_space<vmem>>[vector<16xi32>], vector<16xf32>,
      %mul3A_877 = arith.mulf %get3A_5, %gather3A : vector<16xf32>
      %add3A_878 = vector.broadcast %mul3A_874 : i32 to vector<16xi32>
      %add3A_879 = arith.addi %add3A_878, %shift_left3A_4 : vector<16xi32>
      %add3A_880 = arith.constant 1 : i32
      %add3A_881 = vector.broadcast %add3A_880 : i32 to vector<16xi32>
      %add3A_882 = arith.addi %add3A_879, %add3A_881 : vector<16xi32>
      %gather3A_883 = tpu.vector_load_idx %arg7[%add3A_882] : memref<2048xf32, #tpu.memory_space<vmem>>[vector<16xi32>], vector<16xf32>,
      %mul3A_884 = arith.mulf %get3A_7, %gather3A_883 : vector<16xf32>
      %add3A_885 = arith.addf %mul3A_877, %mul3A_884 : vector<16xf32>
      %add3A_886 = vector.broadcast %mul3A_874 : i32 to vector<16xi32>
      %add3A_887 = arith.addi %add3A_886, %shift_left3A_4 : vector<16xi32>
      %add3A_888 = arith.constant 2 : i32
      %add3A_889 = vector.broadcast %add3A_888 : i32 to vector<16xi32>
      %add3A_890 = arith.addi %add3A_887, %add3A_889 : vector<16xi32>
      %gather3A_891 = tpu.vector_load_idx %arg7[%add3A_890] : memref<2048xf32, #tpu.memory_space<vmem>>[vector<16xi32>], vector<16xf32>,
      %mul3A_892 = arith.mulf %get3A_9, %gather3A_891 : vector<16xf32>
      %add3A_893 = arith.addf %add3A_885, %mul3A_892 : vector<16xf32>
      %add3A_894 = vector.broadcast %mul3A_874 : i32 to vector<16xi32>
      %add3A_895 = arith.addi %add3A_894, %shift_left3A_4 : vector<16xi32>
      %add3A_896 = arith.constant 3 : i32
      %add3A_897 = vector.broadcast %add3A_896 : i32 to vector<16xi32>
      %add3A_898 = arith.addi %add3A_895, %add3A_897 : vector<16xi32>
      %gather3A_899 = tpu.vector_load_idx %arg7[%add3A_898] : memref<2048xf32, #tpu.memory_space<vmem>>[vector<16xi32>], vector<16xf32>,
      %mul3A_900 = arith.mulf %get3A_11, %gather3A_899 : vector<16xf32>
      %add3A_901 = arith.addf %add3A_893, %mul3A_900 : vector<16xf32>
      %swap3A_902 = arith.index_cast %mul3A_874 : i32 to index
      %swap3A_903 = tpu.vector_load %arg8[%swap3A_902] {strides = array<i32>} : memref<2048xf32, #tpu.memory_space<vmem>>, vector<16xf32>,
      tpu.vector_store %arg8[%swap3A_902], %add3A_901 {strides = array<i32>} : memref<2048xf32, #tpu.memory_space<vmem>>, vector<16xf32>,
      %add3A_904 = arith.addi %mul3A_0, %mul3A_874 : i32
      %add3A_905 = vector.broadcast %add3A_904 : i32 to vector<16xi32>
      %add3A_906 = arith.addi %add3A_905, %iota3A : vector<16xi32>
      %broadcast_in_dim3A_907 = arith.constant 0 : i32
      %broadcast_in_dim3A_908 = vector.broadcast %broadcast_in_dim3A_907 : i32 to vector<16xi32>
      %add3A_909 = arith.constant 8 : i32
      %add3A_910 = vector.broadcast %add3A_909 : i32 to vector<16xi32>
      %add3A_911 = arith.addi %broadcast_in_dim3A_908, %add3A_910 : vector<16xi32>
      %gather3A_912 = tpu.vector_load_idx %arg11[%add3A_911] : memref<32xi32, #tpu.memory_space<vmem>>[vector<16xi32>], vector<16xi32>,
      %le3A = arith.cmpi sle, %gather3A_912, %add3A_906 : vector<16xi32>
      %select_n3A_913 = arith.select %le3A, %add3A_911, %broadcast_in_dim3A_908 : vector<16xi1>, vector<16xi32>
      %add3A_914 = arith.constant 4 : i32
      %add3A_915 = vector.broadcast %add3A_914 : i32 to vector<16xi32>
      %add3A_916 = arith.addi %select_n3A_913, %add3A_915 : vector<16xi32>
      %gather3A_917 = tpu.vector_load_idx %arg11[%add3A_916] : memref<32xi32, #tpu.memory_space<vmem>>[vector<16xi32>], vector<16xi32>,
      %le3A_918 = arith.cmpi sle, %gather3A_917, %add3A_906 : vector<16xi32>
      %select_n3A_919 = arith.select %le3A_918, %add3A_916, %select_n3A_913 : vector<16xi1>, vector<16xi32>
      %add3A_920 = arith.constant 2 : i32
      %add3A_921 = vector.broadcast %add3A_920 : i32 to vector<16xi32>
      %add3A_922 = arith.addi %select_n3A_919, %add3A_921 : vector<16xi32>
      %gather3A_923 = tpu.vector_load_idx %arg11[%add3A_922] : memref<32xi32, #tpu.memory_space<vmem>>[vector<16xi32>], vector<16xi32>,
      %le3A_924 = arith.cmpi sle, %gather3A_923, %add3A_906 : vector<16xi32>
      %select_n3A_925 = arith.select %le3A_924, %add3A_922, %select_n3A_919 : vector<16xi1>, vector<16xi32>
      %add3A_926 = arith.constant 1 : i32
      %add3A_927 = vector.broadcast %add3A_926 : i32 to vector<16xi32>
      %add3A_928 = arith.addi %select_n3A_925, %add3A_927 : vector<16xi32>
      %gather3A_929 = tpu.vector_load_idx %arg11[%add3A_928] : memref<32xi32, #tpu.memory_space<vmem>>[vector<16xi32>], vector<16xi32>,
      %le3A_930 = arith.cmpi sle, %gather3A_929, %add3A_906 : vector<16xi32>
      %select_n3A_931 = arith.select %le3A_930, %add3A_928, %select_n3A_925 : vector<16xi1>, vector<16xi32>
      %swap3A_932 = arith.index_cast %mul3A_874 : i32 to index
      %swap3A_933 = tpu.vector_load %arg9[%swap3A_932] {strides = array<i32>} : memref<2048xi32, #tpu.memory_space<vmem>>, vector<16xi32>,
      tpu.vector_store %arg9[%swap3A_932], %select_n3A_931 {strides = array<i32>} : memref<2048xi32, #tpu.memory_space<vmem>>, vector<16xi32>,
      %shift_left3A_934 = arith.constant 2 : i32
      %shift_left3A_935 = vector.broadcast %shift_left3A_934 : i32 to vector<16xi32>
      %shift_left3A_936 = arith.shli %select_n3A_931, %shift_left3A_935 : vector<16xi32>
      %add3A_937 = arith.constant 0 : i32
      %add3A_938 = vector.broadcast %add3A_937 : i32 to vector<16xi32>
      %add3A_939 = arith.addi %shift_left3A_936, %add3A_938 : vector<16xi32>
      %abs3A = math.absf %add3A_901 : vector<16xf32>
      tpu.vector_store_idx %arg12[%add3A_939, %iota3A], %abs3A {add = true} : memref<64x16xf32, #tpu.memory_space<vmem>>[vector<16xi32>, vector<16xi32>], vector<16xf32>,
      %mul3A_940 = arith.constant 4 : i32
      %mul3A_941 = arith.muli %scan3A_868, %mul3A_940 : i32
      %add3A_942 = arith.constant 1 : i32
      %add3A_943 = arith.addi %mul3A_941, %add3A_942 : i32
      %mul3A_944 = arith.constant 16 : i32
      %mul3A_945 = arith.muli %add3A_943, %mul3A_944 : i32
      %add3A_946 = vector.broadcast %mul3A_945 : i32 to vector<16xi32>
      %add3A_947 = arith.addi %add3A_946, %shift_left3A_4 : vector<16xi32>
      %gather3A_948 = tpu.vector_load_idx %arg7[%add3A_947] : memref<2048xf32, #tpu.memory_space<vmem>>[vector<16xi32>], vector<16xf32>,
      %mul3A_949 = arith.mulf %get3A_5, %gather3A_948 : vector<16xf32>
      %add3A_950 = vector.broadcast %mul3A_945 : i32 to vector<16xi32>
      %add3A_951 = arith.addi %add3A_950, %shift_left3A_4 : vector<16xi32>
      %add3A_952 = arith.constant 1 : i32
      %add3A_953 = vector.broadcast %add3A_952 : i32 to vector<16xi32>
      %add3A_954 = arith.addi %add3A_951, %add3A_953 : vector<16xi32>
      %gather3A_955 = tpu.vector_load_idx %arg7[%add3A_954] : memref<2048xf32, #tpu.memory_space<vmem>>[vector<16xi32>], vector<16xf32>,
      %mul3A_956 = arith.mulf %get3A_7, %gather3A_955 : vector<16xf32>
      %add3A_957 = arith.addf %mul3A_949, %mul3A_956 : vector<16xf32>
      %add3A_958 = vector.broadcast %mul3A_945 : i32 to vector<16xi32>
      %add3A_959 = arith.addi %add3A_958, %shift_left3A_4 : vector<16xi32>
      %add3A_960 = arith.constant 2 : i32
      %add3A_961 = vector.broadcast %add3A_960 : i32 to vector<16xi32>
      %add3A_962 = arith.addi %add3A_959, %add3A_961 : vector<16xi32>
      %gather3A_963 = tpu.vector_load_idx %arg7[%add3A_962] : memref<2048xf32, #tpu.memory_space<vmem>>[vector<16xi32>], vector<16xf32>,
      %mul3A_964 = arith.mulf %get3A_9, %gather3A_963 : vector<16xf32>
      %add3A_965 = arith.addf %add3A_957, %mul3A_964 : vector<16xf32>
      %add3A_966 = vector.broadcast %mul3A_945 : i32 to vector<16xi32>
      %add3A_967 = arith.addi %add3A_966, %shift_left3A_4 : vector<16xi32>
      %add3A_968 = arith.constant 3 : i32
      %add3A_969 = vector.broadcast %add3A_968 : i32 to vector<16xi32>
      %add3A_970 = arith.addi %add3A_967, %add3A_969 : vector<16xi32>
      %gather3A_971 = tpu.vector_load_idx %arg7[%add3A_970] : memref<2048xf32, #tpu.memory_space<vmem>>[vector<16xi32>], vector<16xf32>,
      %mul3A_972 = arith.mulf %get3A_11, %gather3A_971 : vector<16xf32>
      %add3A_973 = arith.addf %add3A_965, %mul3A_972 : vector<16xf32>
      %swap3A_974 = arith.index_cast %mul3A_945 : i32 to index
      %swap3A_975 = tpu.vector_load %arg8[%swap3A_974] {strides = array<i32>} : memref<2048xf32, #tpu.memory_space<vmem>>, vector<16xf32>,
      tpu.vector_store %arg8[%swap3A_974], %add3A_973 {strides = array<i32>} : memref<2048xf32, #tpu.memory_space<vmem>>, vector<16xf32>,
      %add3A_976 = arith.addi %mul3A_0, %mul3A_945 : i32
      %add3A_977 = vector.broadcast %add3A_976 : i32 to vector<16xi32>
      %add3A_978 = arith.addi %add3A_977, %iota3A : vector<16xi32>
      %broadcast_in_dim3A_979 = arith.constant 0 : i32
      %broadcast_in_dim3A_980 = vector.broadcast %broadcast_in_dim3A_979 : i32 to vector<16xi32>
      %add3A_981 = arith.constant 8 : i32
      %add3A_982 = vector.broadcast %add3A_981 : i32 to vector<16xi32>
      %add3A_983 = arith.addi %broadcast_in_dim3A_980, %add3A_982 : vector<16xi32>
      %gather3A_984 = tpu.vector_load_idx %arg11[%add3A_983] : memref<32xi32, #tpu.memory_space<vmem>>[vector<16xi32>], vector<16xi32>,
      %le3A_985 = arith.cmpi sle, %gather3A_984, %add3A_978 : vector<16xi32>
      %select_n3A_986 = arith.select %le3A_985, %add3A_983, %broadcast_in_dim3A_980 : vector<16xi1>, vector<16xi32>
      %add3A_987 = arith.constant 4 : i32
      %add3A_988 = vector.broadcast %add3A_987 : i32 to vector<16xi32>
      %add3A_989 = arith.addi %select_n3A_986, %add3A_988 : vector<16xi32>
      %gather3A_990 = tpu.vector_load_idx %arg11[%add3A_989] : memref<32xi32, #tpu.memory_space<vmem>>[vector<16xi32>], vector<16xi32>,
      %le3A_991 = arith.cmpi sle, %gather3A_990, %add3A_978 : vector<16xi32>
      %select_n3A_992 = arith.select %le3A_991, %add3A_989, %select_n3A_986 : vector<16xi1>, vector<16xi32>
      %add3A_993 = arith.constant 2 : i32
      %add3A_994 = vector.broadcast %add3A_993 : i32 to vector<16xi32>
      %add3A_995 = arith.addi %select_n3A_992, %add3A_994 : vector<16xi32>
      %gather3A_996 = tpu.vector_load_idx %arg11[%add3A_995] : memref<32xi32, #tpu.memory_space<vmem>>[vector<16xi32>], vector<16xi32>,
      %le3A_997 = arith.cmpi sle, %gather3A_996, %add3A_978 : vector<16xi32>
      %select_n3A_998 = arith.select %le3A_997, %add3A_995, %select_n3A_992 : vector<16xi1>, vector<16xi32>
      %add3A_999 = arith.constant 1 : i32
      %add3A_1000 = vector.broadcast %add3A_999 : i32 to vector<16xi32>
      %add3A_1001 = arith.addi %select_n3A_998, %add3A_1000 : vector<16xi32>
      %gather3A_1002 = tpu.vector_load_idx %arg11[%add3A_1001] : memref<32xi32, #tpu.memory_space<vmem>>[vector<16xi32>], vector<16xi32>,
      %le3A_1003 = arith.cmpi sle, %gather3A_1002, %add3A_978 : vector<16xi32>
      %select_n3A_1004 = arith.select %le3A_1003, %add3A_1001, %select_n3A_998 : vector<16xi1>, vector<16xi32>
      %swap3A_1005 = arith.index_cast %mul3A_945 : i32 to index
      %swap3A_1006 = tpu.vector_load %arg9[%swap3A_1005] {strides = array<i32>} : memref<2048xi32, #tpu.memory_space<vmem>>, vector<16xi32>,
      tpu.vector_store %arg9[%swap3A_1005], %select_n3A_1004 {strides = array<i32>} : memref<2048xi32, #tpu.memory_space<vmem>>, vector<16xi32>,
      %shift_left3A_1007 = arith.constant 2 : i32
      %shift_left3A_1008 = vector.broadcast %shift_left3A_1007 : i32 to vector<16xi32>
      %shift_left3A_1009 = arith.shli %select_n3A_1004, %shift_left3A_1008 : vector<16xi32>
      %add3A_1010 = arith.constant 1 : i32
      %add3A_1011 = vector.broadcast %add3A_1010 : i32 to vector<16xi32>
      %add3A_1012 = arith.addi %shift_left3A_1009, %add3A_1011 : vector<16xi32>
      %abs3A_1013 = math.absf %add3A_973 : vector<16xf32>
      tpu.vector_store_idx %arg12[%add3A_1012, %iota3A], %abs3A_1013 {add = true} : memref<64x16xf32, #tpu.memory_space<vmem>>[vector<16xi32>, vector<16xi32>], vector<16xf32>,
      %mul3A_1014 = arith.constant 4 : i32
      %mul3A_1015 = arith.muli %scan3A_868, %mul3A_1014 : i32
      %add3A_1016 = arith.constant 2 : i32
      %add3A_1017 = arith.addi %mul3A_1015, %add3A_1016 : i32
      %mul3A_1018 = arith.constant 16 : i32
      %mul3A_1019 = arith.muli %add3A_1017, %mul3A_1018 : i32
      %add3A_1020 = vector.broadcast %mul3A_1019 : i32 to vector<16xi32>
      %add3A_1021 = arith.addi %add3A_1020, %shift_left3A_4 : vector<16xi32>
      %gather3A_1022 = tpu.vector_load_idx %arg7[%add3A_1021] : memref<2048xf32, #tpu.memory_space<vmem>>[vector<16xi32>], vector<16xf32>,
      %mul3A_1023 = arith.mulf %get3A_5, %gather3A_1022 : vector<16xf32>
      %add3A_1024 = vector.broadcast %mul3A_1019 : i32 to vector<16xi32>
      %add3A_1025 = arith.addi %add3A_1024, %shift_left3A_4 : vector<16xi32>
      %add3A_1026 = arith.constant 1 : i32
      %add3A_1027 = vector.broadcast %add3A_1026 : i32 to vector<16xi32>
      %add3A_1028 = arith.addi %add3A_1025, %add3A_1027 : vector<16xi32>
      %gather3A_1029 = tpu.vector_load_idx %arg7[%add3A_1028] : memref<2048xf32, #tpu.memory_space<vmem>>[vector<16xi32>], vector<16xf32>,
      %mul3A_1030 = arith.mulf %get3A_7, %gather3A_1029 : vector<16xf32>
      %add3A_1031 = arith.addf %mul3A_1023, %mul3A_1030 : vector<16xf32>
      %add3A_1032 = vector.broadcast %mul3A_1019 : i32 to vector<16xi32>
      %add3A_1033 = arith.addi %add3A_1032, %shift_left3A_4 : vector<16xi32>
      %add3A_1034 = arith.constant 2 : i32
      %add3A_1035 = vector.broadcast %add3A_1034 : i32 to vector<16xi32>
      %add3A_1036 = arith.addi %add3A_1033, %add3A_1035 : vector<16xi32>
      %gather3A_1037 = tpu.vector_load_idx %arg7[%add3A_1036] : memref<2048xf32, #tpu.memory_space<vmem>>[vector<16xi32>], vector<16xf32>,
      %mul3A_1038 = arith.mulf %get3A_9, %gather3A_1037 : vector<16xf32>
      %add3A_1039 = arith.addf %add3A_1031, %mul3A_1038 : vector<16xf32>
      %add3A_1040 = vector.broadcast %mul3A_1019 : i32 to vector<16xi32>
      %add3A_1041 = arith.addi %add3A_1040, %shift_left3A_4 : vector<16xi32>
      %add3A_1042 = arith.constant 3 : i32
      %add3A_1043 = vector.broadcast %add3A_1042 : i32 to vector<16xi32>
      %add3A_1044 = arith.addi %add3A_1041, %add3A_1043 : vector<16xi32>
      %gather3A_1045 = tpu.vector_load_idx %arg7[%add3A_1044] : memref<2048xf32, #tpu.memory_space<vmem>>[vector<16xi32>], vector<16xf32>,
      %mul3A_1046 = arith.mulf %get3A_11, %gather3A_1045 : vector<16xf32>
      %add3A_1047 = arith.addf %add3A_1039, %mul3A_1046 : vector<16xf32>
      %swap3A_1048 = arith.index_cast %mul3A_1019 : i32 to index
      %swap3A_1049 = tpu.vector_load %arg8[%swap3A_1048] {strides = array<i32>} : memref<2048xf32, #tpu.memory_space<vmem>>, vector<16xf32>,
      tpu.vector_store %arg8[%swap3A_1048], %add3A_1047 {strides = array<i32>} : memref<2048xf32, #tpu.memory_space<vmem>>, vector<16xf32>,
      %add3A_1050 = arith.addi %mul3A_0, %mul3A_1019 : i32
      %add3A_1051 = vector.broadcast %add3A_1050 : i32 to vector<16xi32>
      %add3A_1052 = arith.addi %add3A_1051, %iota3A : vector<16xi32>
      %broadcast_in_dim3A_1053 = arith.constant 0 : i32
      %broadcast_in_dim3A_1054 = vector.broadcast %broadcast_in_dim3A_1053 : i32 to vector<16xi32>
      %add3A_1055 = arith.constant 8 : i32
      %add3A_1056 = vector.broadcast %add3A_1055 : i32 to vector<16xi32>
      %add3A_1057 = arith.addi %broadcast_in_dim3A_1054, %add3A_1056 : vector<16xi32>
      %gather3A_1058 = tpu.vector_load_idx %arg11[%add3A_1057] : memref<32xi32, #tpu.memory_space<vmem>>[vector<16xi32>], vector<16xi32>,
      %le3A_1059 = arith.cmpi sle, %gather3A_1058, %add3A_1052 : vector<16xi32>
      %select_n3A_1060 = arith.select %le3A_1059, %add3A_1057, %broadcast_in_dim3A_1054 : vector<16xi1>, vector<16xi32>
      %add3A_1061 = arith.constant 4 : i32
      %add3A_1062 = vector.broadcast %add3A_1061 : i32 to vector<16xi32>
      %add3A_1063 = arith.addi %select_n3A_1060, %add3A_1062 : vector<16xi32>
      %gather3A_1064 = tpu.vector_load_idx %arg11[%add3A_1063] : memref<32xi32, #tpu.memory_space<vmem>>[vector<16xi32>], vector<16xi32>,
      %le3A_1065 = arith.cmpi sle, %gather3A_1064, %add3A_1052 : vector<16xi32>
      %select_n3A_1066 = arith.select %le3A_1065, %add3A_1063, %select_n3A_1060 : vector<16xi1>, vector<16xi32>
      %add3A_1067 = arith.constant 2 : i32
      %add3A_1068 = vector.broadcast %add3A_1067 : i32 to vector<16xi32>
      %add3A_1069 = arith.addi %select_n3A_1066, %add3A_1068 : vector<16xi32>
      %gather3A_1070 = tpu.vector_load_idx %arg11[%add3A_1069] : memref<32xi32, #tpu.memory_space<vmem>>[vector<16xi32>], vector<16xi32>,
      %le3A_1071 = arith.cmpi sle, %gather3A_1070, %add3A_1052 : vector<16xi32>
      %select_n3A_1072 = arith.select %le3A_1071, %add3A_1069, %select_n3A_1066 : vector<16xi1>, vector<16xi32>
      %add3A_1073 = arith.constant 1 : i32
      %add3A_1074 = vector.broadcast %add3A_1073 : i32 to vector<16xi32>
      %add3A_1075 = arith.addi %select_n3A_1072, %add3A_1074 : vector<16xi32>
      %gather3A_1076 = tpu.vector_load_idx %arg11[%add3A_1075] : memref<32xi32, #tpu.memory_space<vmem>>[vector<16xi32>], vector<16xi32>,
      %le3A_1077 = arith.cmpi sle, %gather3A_1076, %add3A_1052 : vector<16xi32>
      %select_n3A_1078 = arith.select %le3A_1077, %add3A_1075, %select_n3A_1072 : vector<16xi1>, vector<16xi32>
      %swap3A_1079 = arith.index_cast %mul3A_1019 : i32 to index
      %swap3A_1080 = tpu.vector_load %arg9[%swap3A_1079] {strides = array<i32>} : memref<2048xi32, #tpu.memory_space<vmem>>, vector<16xi32>,
      tpu.vector_store %arg9[%swap3A_1079], %select_n3A_1078 {strides = array<i32>} : memref<2048xi32, #tpu.memory_space<vmem>>, vector<16xi32>,
      %shift_left3A_1081 = arith.constant 2 : i32
      %shift_left3A_1082 = vector.broadcast %shift_left3A_1081 : i32 to vector<16xi32>
      %shift_left3A_1083 = arith.shli %select_n3A_1078, %shift_left3A_1082 : vector<16xi32>
      %add3A_1084 = arith.constant 2 : i32
      %add3A_1085 = vector.broadcast %add3A_1084 : i32 to vector<16xi32>
      %add3A_1086 = arith.addi %shift_left3A_1083, %add3A_1085 : vector<16xi32>
      %abs3A_1087 = math.absf %add3A_1047 : vector<16xf32>
      tpu.vector_store_idx %arg12[%add3A_1086, %iota3A], %abs3A_1087 {add = true} : memref<64x16xf32, #tpu.memory_space<vmem>>[vector<16xi32>, vector<16xi32>], vector<16xf32>,
      %mul3A_1088 = arith.constant 4 : i32
      %mul3A_1089 = arith.muli %scan3A_868, %mul3A_1088 : i32
      %add3A_1090 = arith.constant 3 : i32
      %add3A_1091 = arith.addi %mul3A_1089, %add3A_1090 : i32
      %mul3A_1092 = arith.constant 16 : i32
      %mul3A_1093 = arith.muli %add3A_1091, %mul3A_1092 : i32
      %add3A_1094 = vector.broadcast %mul3A_1093 : i32 to vector<16xi32>
      %add3A_1095 = arith.addi %add3A_1094, %shift_left3A_4 : vector<16xi32>
      %gather3A_1096 = tpu.vector_load_idx %arg7[%add3A_1095] : memref<2048xf32, #tpu.memory_space<vmem>>[vector<16xi32>], vector<16xf32>,
      %mul3A_1097 = arith.mulf %get3A_5, %gather3A_1096 : vector<16xf32>
      %add3A_1098 = vector.broadcast %mul3A_1093 : i32 to vector<16xi32>
      %add3A_1099 = arith.addi %add3A_1098, %shift_left3A_4 : vector<16xi32>
      %add3A_1100 = arith.constant 1 : i32
      %add3A_1101 = vector.broadcast %add3A_1100 : i32 to vector<16xi32>
      %add3A_1102 = arith.addi %add3A_1099, %add3A_1101 : vector<16xi32>
      %gather3A_1103 = tpu.vector_load_idx %arg7[%add3A_1102] : memref<2048xf32, #tpu.memory_space<vmem>>[vector<16xi32>], vector<16xf32>,
      %mul3A_1104 = arith.mulf %get3A_7, %gather3A_1103 : vector<16xf32>
      %add3A_1105 = arith.addf %mul3A_1097, %mul3A_1104 : vector<16xf32>
      %add3A_1106 = vector.broadcast %mul3A_1093 : i32 to vector<16xi32>
      %add3A_1107 = arith.addi %add3A_1106, %shift_left3A_4 : vector<16xi32>
      %add3A_1108 = arith.constant 2 : i32
      %add3A_1109 = vector.broadcast %add3A_1108 : i32 to vector<16xi32>
      %add3A_1110 = arith.addi %add3A_1107, %add3A_1109 : vector<16xi32>
      %gather3A_1111 = tpu.vector_load_idx %arg7[%add3A_1110] : memref<2048xf32, #tpu.memory_space<vmem>>[vector<16xi32>], vector<16xf32>,
      %mul3A_1112 = arith.mulf %get3A_9, %gather3A_1111 : vector<16xf32>
      %add3A_1113 = arith.addf %add3A_1105, %mul3A_1112 : vector<16xf32>
      %add3A_1114 = vector.broadcast %mul3A_1093 : i32 to vector<16xi32>
      %add3A_1115 = arith.addi %add3A_1114, %shift_left3A_4 : vector<16xi32>
      %add3A_1116 = arith.constant 3 : i32
      %add3A_1117 = vector.broadcast %add3A_1116 : i32 to vector<16xi32>
      %add3A_1118 = arith.addi %add3A_1115, %add3A_1117 : vector<16xi32>
      %gather3A_1119 = tpu.vector_load_idx %arg7[%add3A_1118] : memref<2048xf32, #tpu.memory_space<vmem>>[vector<16xi32>], vector<16xf32>,
      %mul3A_1120 = arith.mulf %get3A_11, %gather3A_1119 : vector<16xf32>
      %add3A_1121 = arith.addf %add3A_1113, %mul3A_1120 : vector<16xf32>
      %swap3A_1122 = arith.index_cast %mul3A_1093 : i32 to index
      %swap3A_1123 = tpu.vector_load %arg8[%swap3A_1122] {strides = array<i32>} : memref<2048xf32, #tpu.memory_space<vmem>>, vector<16xf32>,
      tpu.vector_store %arg8[%swap3A_1122], %add3A_1121 {strides = array<i32>} : memref<2048xf32, #tpu.memory_space<vmem>>, vector<16xf32>,
      %add3A_1124 = arith.addi %mul3A_0, %mul3A_1093 : i32
      %add3A_1125 = vector.broadcast %add3A_1124 : i32 to vector<16xi32>
      %add3A_1126 = arith.addi %add3A_1125, %iota3A : vector<16xi32>
      %broadcast_in_dim3A_1127 = arith.constant 0 : i32
      %broadcast_in_dim3A_1128 = vector.broadcast %broadcast_in_dim3A_1127 : i32 to vector<16xi32>
      %add3A_1129 = arith.constant 8 : i32
      %add3A_1130 = vector.broadcast %add3A_1129 : i32 to vector<16xi32>
      %add3A_1131 = arith.addi %broadcast_in_dim3A_1128, %add3A_1130 : vector<16xi32>
      %gather3A_1132 = tpu.vector_load_idx %arg11[%add3A_1131] : memref<32xi32, #tpu.memory_space<vmem>>[vector<16xi32>], vector<16xi32>,
      %le3A_1133 = arith.cmpi sle, %gather3A_1132, %add3A_1126 : vector<16xi32>
      %select_n3A_1134 = arith.select %le3A_1133, %add3A_1131, %broadcast_in_dim3A_1128 : vector<16xi1>, vector<16xi32>
      %add3A_1135 = arith.constant 4 : i32
      %add3A_1136 = vector.broadcast %add3A_1135 : i32 to vector<16xi32>
      %add3A_1137 = arith.addi %select_n3A_1134, %add3A_1136 : vector<16xi32>
      %gather3A_1138 = tpu.vector_load_idx %arg11[%add3A_1137] : memref<32xi32, #tpu.memory_space<vmem>>[vector<16xi32>], vector<16xi32>,
      %le3A_1139 = arith.cmpi sle, %gather3A_1138, %add3A_1126 : vector<16xi32>
      %select_n3A_1140 = arith.select %le3A_1139, %add3A_1137, %select_n3A_1134 : vector<16xi1>, vector<16xi32>
      %add3A_1141 = arith.constant 2 : i32
      %add3A_1142 = vector.broadcast %add3A_1141 : i32 to vector<16xi32>
      %add3A_1143 = arith.addi %select_n3A_1140, %add3A_1142 : vector<16xi32>
      %gather3A_1144 = tpu.vector_load_idx %arg11[%add3A_1143] : memref<32xi32, #tpu.memory_space<vmem>>[vector<16xi32>], vector<16xi32>,
      %le3A_1145 = arith.cmpi sle, %gather3A_1144, %add3A_1126 : vector<16xi32>
      %select_n3A_1146 = arith.select %le3A_1145, %add3A_1143, %select_n3A_1140 : vector<16xi1>, vector<16xi32>
      %add3A_1147 = arith.constant 1 : i32
      %add3A_1148 = vector.broadcast %add3A_1147 : i32 to vector<16xi32>
      %add3A_1149 = arith.addi %select_n3A_1146, %add3A_1148 : vector<16xi32>
      %gather3A_1150 = tpu.vector_load_idx %arg11[%add3A_1149] : memref<32xi32, #tpu.memory_space<vmem>>[vector<16xi32>], vector<16xi32>,
      %le3A_1151 = arith.cmpi sle, %gather3A_1150, %add3A_1126 : vector<16xi32>
      %select_n3A_1152 = arith.select %le3A_1151, %add3A_1149, %select_n3A_1146 : vector<16xi1>, vector<16xi32>
      %swap3A_1153 = arith.index_cast %mul3A_1093 : i32 to index
      %swap3A_1154 = tpu.vector_load %arg9[%swap3A_1153] {strides = array<i32>} : memref<2048xi32, #tpu.memory_space<vmem>>, vector<16xi32>,
      tpu.vector_store %arg9[%swap3A_1153], %select_n3A_1152 {strides = array<i32>} : memref<2048xi32, #tpu.memory_space<vmem>>, vector<16xi32>,
      %shift_left3A_1155 = arith.constant 2 : i32
      %shift_left3A_1156 = vector.broadcast %shift_left3A_1155 : i32 to vector<16xi32>
      %shift_left3A_1157 = arith.shli %select_n3A_1152, %shift_left3A_1156 : vector<16xi32>
      %add3A_1158 = arith.constant 3 : i32
      %add3A_1159 = vector.broadcast %add3A_1158 : i32 to vector<16xi32>
      %add3A_1160 = arith.addi %shift_left3A_1157, %add3A_1159 : vector<16xi32>
      %abs3A_1161 = math.absf %add3A_1121 : vector<16xf32>
      tpu.vector_store_idx %arg12[%add3A_1160, %iota3A], %abs3A_1161 {add = true} : memref<64x16xf32, #tpu.memory_space<vmem>>[vector<16xi32>, vector<16xi32>], vector<16xf32>,
    }
    %scan3A_272 = arith.constant 32 : i32
    %get3A_273 = arith.constant 0 : i32
    %get3A_274 = arith.index_cast %get3A_273 : i32 to index
    %get3A_275 = arith.constant 0 : index
    %get3A_276 = tpu.vector_load %arg12[%get3A_274, %get3A_275] {strides = array<i32>} : memref<64x16xf32, #tpu.memory_space<vmem>>, vector<16xf32>,
    %get3A_277 = arith.constant 1 : i32
    %get3A_278 = arith.index_cast %get3A_277 : i32 to index
    %get3A_279 = arith.constant 0 : index
    %get3A_280 = tpu.vector_load %arg12[%get3A_278, %get3A_279] {strides = array<i32>} : memref<64x16xf32, #tpu.memory_space<vmem>>, vector<16xf32>,
    %add3A = arith.addf %get3A_276, %get3A_280 : vector<16xf32>
    %get3A_281 = arith.constant 2 : i32
    %get3A_282 = arith.index_cast %get3A_281 : i32 to index
    %get3A_283 = arith.constant 0 : index
    %get3A_284 = tpu.vector_load %arg12[%get3A_282, %get3A_283] {strides = array<i32>} : memref<64x16xf32, #tpu.memory_space<vmem>>, vector<16xf32>,
    %add3A_285 = arith.addf %add3A, %get3A_284 : vector<16xf32>
    %get3A_286 = arith.constant 3 : i32
    %get3A_287 = arith.index_cast %get3A_286 : i32 to index
    %get3A_288 = arith.constant 0 : index
    %get3A_289 = tpu.vector_load %arg12[%get3A_287, %get3A_288] {strides = array<i32>} : memref<64x16xf32, #tpu.memory_space<vmem>>, vector<16xf32>,
    %add3A_290 = arith.addf %add3A_285, %get3A_289 : vector<16xf32>
    %eq3A = arith.constant 0 : i32
    %eq3A_291 = vector.broadcast %eq3A : i32 to vector<16xi32>
    %eq3A_292 = arith.cmpi eq, %iota3A, %eq3A_291 : vector<16xi32>
    %broadcast_in_dim3A_293 = arith.constant 1.000000e+00 : f32
    %broadcast_in_dim3A_294 = vector.broadcast %broadcast_in_dim3A_293 : f32 to vector<16xf32>
    %reduce_sum3A = arith.constant true
    %reduce_sum3A_295 = vector.broadcast %reduce_sum3A : i1 to vector<16xi1>
    %reduce_sum3A_296 = tpu.scan <sum>, %add3A_290 masked %reduce_sum3A_295 : vector<16xf32>, vector<16xi1> -> vector<16xf32>
    %reduce_sum3A_297 = vector.extract %reduce_sum3A_296[15] : f32 from vector<16xf32>
    %mul3A_298 = vector.broadcast %reduce_sum3A_297 : f32 to vector<16xf32>
    %mul3A_299 = arith.mulf %broadcast_in_dim3A_294, %mul3A_298 : vector<16xf32>
    %select_n3A = arith.select %eq3A_292, %mul3A_299, %broadcast_in_dim3A_12 : vector<16xi1>, vector<16xf32>
    %add3A_300 = arith.addf %broadcast_in_dim3A_12, %select_n3A : vector<16xf32>
    %get3A_301 = arith.constant 4 : i32
    %get3A_302 = arith.index_cast %get3A_301 : i32 to index
    %get3A_303 = arith.constant 0 : index
    %get3A_304 = tpu.vector_load %arg12[%get3A_302, %get3A_303] {strides = array<i32>} : memref<64x16xf32, #tpu.memory_space<vmem>>, vector<16xf32>,
    %get3A_305 = arith.constant 5 : i32
    %get3A_306 = arith.index_cast %get3A_305 : i32 to index
    %get3A_307 = arith.constant 0 : index
    %get3A_308 = tpu.vector_load %arg12[%get3A_306, %get3A_307] {strides = array<i32>} : memref<64x16xf32, #tpu.memory_space<vmem>>, vector<16xf32>,
    %add3A_309 = arith.addf %get3A_304, %get3A_308 : vector<16xf32>
    %get3A_310 = arith.constant 6 : i32
    %get3A_311 = arith.index_cast %get3A_310 : i32 to index
    %get3A_312 = arith.constant 0 : index
    %get3A_313 = tpu.vector_load %arg12[%get3A_311, %get3A_312] {strides = array<i32>} : memref<64x16xf32, #tpu.memory_space<vmem>>, vector<16xf32>,
    %add3A_314 = arith.addf %add3A_309, %get3A_313 : vector<16xf32>
    %get3A_315 = arith.constant 7 : i32
    %get3A_316 = arith.index_cast %get3A_315 : i32 to index
    %get3A_317 = arith.constant 0 : index
    %get3A_318 = tpu.vector_load %arg12[%get3A_316, %get3A_317] {strides = array<i32>} : memref<64x16xf32, #tpu.memory_space<vmem>>, vector<16xf32>,
    %add3A_319 = arith.addf %add3A_314, %get3A_318 : vector<16xf32>
    %eq3A_320 = arith.constant 1 : i32
    %eq3A_321 = vector.broadcast %eq3A_320 : i32 to vector<16xi32>
    %eq3A_322 = arith.cmpi eq, %iota3A, %eq3A_321 : vector<16xi32>
    %broadcast_in_dim3A_323 = arith.constant 1.000000e+00 : f32
    %broadcast_in_dim3A_324 = vector.broadcast %broadcast_in_dim3A_323 : f32 to vector<16xf32>
    %reduce_sum3A_325 = arith.constant true
    %reduce_sum3A_326 = vector.broadcast %reduce_sum3A_325 : i1 to vector<16xi1>
    %reduce_sum3A_327 = tpu.scan <sum>, %add3A_319 masked %reduce_sum3A_326 : vector<16xf32>, vector<16xi1> -> vector<16xf32>
    %reduce_sum3A_328 = vector.extract %reduce_sum3A_327[15] : f32 from vector<16xf32>
    %mul3A_329 = vector.broadcast %reduce_sum3A_328 : f32 to vector<16xf32>
    %mul3A_330 = arith.mulf %broadcast_in_dim3A_324, %mul3A_329 : vector<16xf32>
    %select_n3A_331 = arith.select %eq3A_322, %mul3A_330, %broadcast_in_dim3A_12 : vector<16xi1>, vector<16xf32>
    %add3A_332 = arith.addf %add3A_300, %select_n3A_331 : vector<16xf32>
    %get3A_333 = arith.constant 8 : i32
    %get3A_334 = arith.index_cast %get3A_333 : i32 to index
    %get3A_335 = arith.constant 0 : index
    %get3A_336 = tpu.vector_load %arg12[%get3A_334, %get3A_335] {strides = array<i32>} : memref<64x16xf32, #tpu.memory_space<vmem>>, vector<16xf32>,
    %get3A_337 = arith.constant 9 : i32
    %get3A_338 = arith.index_cast %get3A_337 : i32 to index
    %get3A_339 = arith.constant 0 : index
    %get3A_340 = tpu.vector_load %arg12[%get3A_338, %get3A_339] {strides = array<i32>} : memref<64x16xf32, #tpu.memory_space<vmem>>, vector<16xf32>,
    %add3A_341 = arith.addf %get3A_336, %get3A_340 : vector<16xf32>
    %get3A_342 = arith.constant 10 : i32
    %get3A_343 = arith.index_cast %get3A_342 : i32 to index
    %get3A_344 = arith.constant 0 : index
    %get3A_345 = tpu.vector_load %arg12[%get3A_343, %get3A_344] {strides = array<i32>} : memref<64x16xf32, #tpu.memory_space<vmem>>, vector<16xf32>,
    %add3A_346 = arith.addf %add3A_341, %get3A_345 : vector<16xf32>
    %get3A_347 = arith.constant 11 : i32
    %get3A_348 = arith.index_cast %get3A_347 : i32 to index
    %get3A_349 = arith.constant 0 : index
    %get3A_350 = tpu.vector_load %arg12[%get3A_348, %get3A_349] {strides = array<i32>} : memref<64x16xf32, #tpu.memory_space<vmem>>, vector<16xf32>,
    %add3A_351 = arith.addf %add3A_346, %get3A_350 : vector<16xf32>
    %eq3A_352 = arith.constant 2 : i32
    %eq3A_353 = vector.broadcast %eq3A_352 : i32 to vector<16xi32>
    %eq3A_354 = arith.cmpi eq, %iota3A, %eq3A_353 : vector<16xi32>
    %broadcast_in_dim3A_355 = arith.constant 1.000000e+00 : f32
    %broadcast_in_dim3A_356 = vector.broadcast %broadcast_in_dim3A_355 : f32 to vector<16xf32>
    %reduce_sum3A_357 = arith.constant true
    %reduce_sum3A_358 = vector.broadcast %reduce_sum3A_357 : i1 to vector<16xi1>
    %reduce_sum3A_359 = tpu.scan <sum>, %add3A_351 masked %reduce_sum3A_358 : vector<16xf32>, vector<16xi1> -> vector<16xf32>
    %reduce_sum3A_360 = vector.extract %reduce_sum3A_359[15] : f32 from vector<16xf32>
    %mul3A_361 = vector.broadcast %reduce_sum3A_360 : f32 to vector<16xf32>
    %mul3A_362 = arith.mulf %broadcast_in_dim3A_356, %mul3A_361 : vector<16xf32>
    %select_n3A_363 = arith.select %eq3A_354, %mul3A_362, %broadcast_in_dim3A_12 : vector<16xi1>, vector<16xf32>
    %add3A_364 = arith.addf %add3A_332, %select_n3A_363 : vector<16xf32>
    %get3A_365 = arith.constant 12 : i32
    %get3A_366 = arith.index_cast %get3A_365 : i32 to index
    %get3A_367 = arith.constant 0 : index
    %get3A_368 = tpu.vector_load %arg12[%get3A_366, %get3A_367] {strides = array<i32>} : memref<64x16xf32, #tpu.memory_space<vmem>>, vector<16xf32>,
    %get3A_369 = arith.constant 13 : i32
    %get3A_370 = arith.index_cast %get3A_369 : i32 to index
    %get3A_371 = arith.constant 0 : index
    %get3A_372 = tpu.vector_load %arg12[%get3A_370, %get3A_371] {strides = array<i32>} : memref<64x16xf32, #tpu.memory_space<vmem>>, vector<16xf32>,
    %add3A_373 = arith.addf %get3A_368, %get3A_372 : vector<16xf32>
    %get3A_374 = arith.constant 14 : i32
    %get3A_375 = arith.index_cast %get3A_374 : i32 to index
    %get3A_376 = arith.constant 0 : index
    %get3A_377 = tpu.vector_load %arg12[%get3A_375, %get3A_376] {strides = array<i32>} : memref<64x16xf32, #tpu.memory_space<vmem>>, vector<16xf32>,
    %add3A_378 = arith.addf %add3A_373, %get3A_377 : vector<16xf32>
    %get3A_379 = arith.constant 15 : i32
    %get3A_380 = arith.index_cast %get3A_379 : i32 to index
    %get3A_381 = arith.constant 0 : index
    %get3A_382 = tpu.vector_load %arg12[%get3A_380, %get3A_381] {strides = array<i32>} : memref<64x16xf32, #tpu.memory_space<vmem>>, vector<16xf32>,
    %add3A_383 = arith.addf %add3A_378, %get3A_382 : vector<16xf32>
    %eq3A_384 = arith.constant 3 : i32
    %eq3A_385 = vector.broadcast %eq3A_384 : i32 to vector<16xi32>
    %eq3A_386 = arith.cmpi eq, %iota3A, %eq3A_385 : vector<16xi32>
    %broadcast_in_dim3A_387 = arith.constant 1.000000e+00 : f32
    %broadcast_in_dim3A_388 = vector.broadcast %broadcast_in_dim3A_387 : f32 to vector<16xf32>
    %reduce_sum3A_389 = arith.constant true
    %reduce_sum3A_390 = vector.broadcast %reduce_sum3A_389 : i1 to vector<16xi1>
    %reduce_sum3A_391 = tpu.scan <sum>, %add3A_383 masked %reduce_sum3A_390 : vector<16xf32>, vector<16xi1> -> vector<16xf32>
    %reduce_sum3A_392 = vector.extract %reduce_sum3A_391[15] : f32 from vector<16xf32>
    %mul3A_393 = vector.broadcast %reduce_sum3A_392 : f32 to vector<16xf32>
    %mul3A_394 = arith.mulf %broadcast_in_dim3A_388, %mul3A_393 : vector<16xf32>
    %select_n3A_395 = arith.select %eq3A_386, %mul3A_394, %broadcast_in_dim3A_12 : vector<16xi1>, vector<16xf32>
    %add3A_396 = arith.addf %add3A_364, %select_n3A_395 : vector<16xf32>
    %get3A_397 = arith.constant 16 : i32
    %get3A_398 = arith.index_cast %get3A_397 : i32 to index
    %get3A_399 = arith.constant 0 : index
    %get3A_400 = tpu.vector_load %arg12[%get3A_398, %get3A_399] {strides = array<i32>} : memref<64x16xf32, #tpu.memory_space<vmem>>, vector<16xf32>,
    %get3A_401 = arith.constant 17 : i32
    %get3A_402 = arith.index_cast %get3A_401 : i32 to index
    %get3A_403 = arith.constant 0 : index
    %get3A_404 = tpu.vector_load %arg12[%get3A_402, %get3A_403] {strides = array<i32>} : memref<64x16xf32, #tpu.memory_space<vmem>>, vector<16xf32>,
    %add3A_405 = arith.addf %get3A_400, %get3A_404 : vector<16xf32>
    %get3A_406 = arith.constant 18 : i32
    %get3A_407 = arith.index_cast %get3A_406 : i32 to index
    %get3A_408 = arith.constant 0 : index
    %get3A_409 = tpu.vector_load %arg12[%get3A_407, %get3A_408] {strides = array<i32>} : memref<64x16xf32, #tpu.memory_space<vmem>>, vector<16xf32>,
    %add3A_410 = arith.addf %add3A_405, %get3A_409 : vector<16xf32>
    %get3A_411 = arith.constant 19 : i32
    %get3A_412 = arith.index_cast %get3A_411 : i32 to index
    %get3A_413 = arith.constant 0 : index
    %get3A_414 = tpu.vector_load %arg12[%get3A_412, %get3A_413] {strides = array<i32>} : memref<64x16xf32, #tpu.memory_space<vmem>>, vector<16xf32>,
    %add3A_415 = arith.addf %add3A_410, %get3A_414 : vector<16xf32>
    %eq3A_416 = arith.constant 4 : i32
    %eq3A_417 = vector.broadcast %eq3A_416 : i32 to vector<16xi32>
    %eq3A_418 = arith.cmpi eq, %iota3A, %eq3A_417 : vector<16xi32>
    %broadcast_in_dim3A_419 = arith.constant 1.000000e+00 : f32
    %broadcast_in_dim3A_420 = vector.broadcast %broadcast_in_dim3A_419 : f32 to vector<16xf32>
    %reduce_sum3A_421 = arith.constant true
    %reduce_sum3A_422 = vector.broadcast %reduce_sum3A_421 : i1 to vector<16xi1>
    %reduce_sum3A_423 = tpu.scan <sum>, %add3A_415 masked %reduce_sum3A_422 : vector<16xf32>, vector<16xi1> -> vector<16xf32>
    %reduce_sum3A_424 = vector.extract %reduce_sum3A_423[15] : f32 from vector<16xf32>
    %mul3A_425 = vector.broadcast %reduce_sum3A_424 : f32 to vector<16xf32>
    %mul3A_426 = arith.mulf %broadcast_in_dim3A_420, %mul3A_425 : vector<16xf32>
    %select_n3A_427 = arith.select %eq3A_418, %mul3A_426, %broadcast_in_dim3A_12 : vector<16xi1>, vector<16xf32>
    %add3A_428 = arith.addf %add3A_396, %select_n3A_427 : vector<16xf32>
    %get3A_429 = arith.constant 20 : i32
    %get3A_430 = arith.index_cast %get3A_429 : i32 to index
    %get3A_431 = arith.constant 0 : index
    %get3A_432 = tpu.vector_load %arg12[%get3A_430, %get3A_431] {strides = array<i32>} : memref<64x16xf32, #tpu.memory_space<vmem>>, vector<16xf32>,
    %get3A_433 = arith.constant 21 : i32
    %get3A_434 = arith.index_cast %get3A_433 : i32 to index
    %get3A_435 = arith.constant 0 : index
    %get3A_436 = tpu.vector_load %arg12[%get3A_434, %get3A_435] {strides = array<i32>} : memref<64x16xf32, #tpu.memory_space<vmem>>, vector<16xf32>,
    %add3A_437 = arith.addf %get3A_432, %get3A_436 : vector<16xf32>
    %get3A_438 = arith.constant 22 : i32
    %get3A_439 = arith.index_cast %get3A_438 : i32 to index
    %get3A_440 = arith.constant 0 : index
    %get3A_441 = tpu.vector_load %arg12[%get3A_439, %get3A_440] {strides = array<i32>} : memref<64x16xf32, #tpu.memory_space<vmem>>, vector<16xf32>,
    %add3A_442 = arith.addf %add3A_437, %get3A_441 : vector<16xf32>
    %get3A_443 = arith.constant 23 : i32
    %get3A_444 = arith.index_cast %get3A_443 : i32 to index
    %get3A_445 = arith.constant 0 : index
    %get3A_446 = tpu.vector_load %arg12[%get3A_444, %get3A_445] {strides = array<i32>} : memref<64x16xf32, #tpu.memory_space<vmem>>, vector<16xf32>,
    %add3A_447 = arith.addf %add3A_442, %get3A_446 : vector<16xf32>
    %eq3A_448 = arith.constant 5 : i32
    %eq3A_449 = vector.broadcast %eq3A_448 : i32 to vector<16xi32>
    %eq3A_450 = arith.cmpi eq, %iota3A, %eq3A_449 : vector<16xi32>
    %broadcast_in_dim3A_451 = arith.constant 1.000000e+00 : f32
    %broadcast_in_dim3A_452 = vector.broadcast %broadcast_in_dim3A_451 : f32 to vector<16xf32>
    %reduce_sum3A_453 = arith.constant true
    %reduce_sum3A_454 = vector.broadcast %reduce_sum3A_453 : i1 to vector<16xi1>
    %reduce_sum3A_455 = tpu.scan <sum>, %add3A_447 masked %reduce_sum3A_454 : vector<16xf32>, vector<16xi1> -> vector<16xf32>
    %reduce_sum3A_456 = vector.extract %reduce_sum3A_455[15] : f32 from vector<16xf32>
    %mul3A_457 = vector.broadcast %reduce_sum3A_456 : f32 to vector<16xf32>
    %mul3A_458 = arith.mulf %broadcast_in_dim3A_452, %mul3A_457 : vector<16xf32>
    %select_n3A_459 = arith.select %eq3A_450, %mul3A_458, %broadcast_in_dim3A_12 : vector<16xi1>, vector<16xf32>
    %add3A_460 = arith.addf %add3A_428, %select_n3A_459 : vector<16xf32>
    %get3A_461 = arith.constant 24 : i32
    %get3A_462 = arith.index_cast %get3A_461 : i32 to index
    %get3A_463 = arith.constant 0 : index
    %get3A_464 = tpu.vector_load %arg12[%get3A_462, %get3A_463] {strides = array<i32>} : memref<64x16xf32, #tpu.memory_space<vmem>>, vector<16xf32>,
    %get3A_465 = arith.constant 25 : i32
    %get3A_466 = arith.index_cast %get3A_465 : i32 to index
    %get3A_467 = arith.constant 0 : index
    %get3A_468 = tpu.vector_load %arg12[%get3A_466, %get3A_467] {strides = array<i32>} : memref<64x16xf32, #tpu.memory_space<vmem>>, vector<16xf32>,
    %add3A_469 = arith.addf %get3A_464, %get3A_468 : vector<16xf32>
    %get3A_470 = arith.constant 26 : i32
    %get3A_471 = arith.index_cast %get3A_470 : i32 to index
    %get3A_472 = arith.constant 0 : index
    %get3A_473 = tpu.vector_load %arg12[%get3A_471, %get3A_472] {strides = array<i32>} : memref<64x16xf32, #tpu.memory_space<vmem>>, vector<16xf32>,
    %add3A_474 = arith.addf %add3A_469, %get3A_473 : vector<16xf32>
    %get3A_475 = arith.constant 27 : i32
    %get3A_476 = arith.index_cast %get3A_475 : i32 to index
    %get3A_477 = arith.constant 0 : index
    %get3A_478 = tpu.vector_load %arg12[%get3A_476, %get3A_477] {strides = array<i32>} : memref<64x16xf32, #tpu.memory_space<vmem>>, vector<16xf32>,
    %add3A_479 = arith.addf %add3A_474, %get3A_478 : vector<16xf32>
    %eq3A_480 = arith.constant 6 : i32
    %eq3A_481 = vector.broadcast %eq3A_480 : i32 to vector<16xi32>
    %eq3A_482 = arith.cmpi eq, %iota3A, %eq3A_481 : vector<16xi32>
    %broadcast_in_dim3A_483 = arith.constant 1.000000e+00 : f32
    %broadcast_in_dim3A_484 = vector.broadcast %broadcast_in_dim3A_483 : f32 to vector<16xf32>
    %reduce_sum3A_485 = arith.constant true
    %reduce_sum3A_486 = vector.broadcast %reduce_sum3A_485 : i1 to vector<16xi1>
    %reduce_sum3A_487 = tpu.scan <sum>, %add3A_479 masked %reduce_sum3A_486 : vector<16xf32>, vector<16xi1> -> vector<16xf32>
    %reduce_sum3A_488 = vector.extract %reduce_sum3A_487[15] : f32 from vector<16xf32>
    %mul3A_489 = vector.broadcast %reduce_sum3A_488 : f32 to vector<16xf32>
    %mul3A_490 = arith.mulf %broadcast_in_dim3A_484, %mul3A_489 : vector<16xf32>
    %select_n3A_491 = arith.select %eq3A_482, %mul3A_490, %broadcast_in_dim3A_12 : vector<16xi1>, vector<16xf32>
    %add3A_492 = arith.addf %add3A_460, %select_n3A_491 : vector<16xf32>
    %get3A_493 = arith.constant 28 : i32
    %get3A_494 = arith.index_cast %get3A_493 : i32 to index
    %get3A_495 = arith.constant 0 : index
    %get3A_496 = tpu.vector_load %arg12[%get3A_494, %get3A_495] {strides = array<i32>} : memref<64x16xf32, #tpu.memory_space<vmem>>, vector<16xf32>,
    %get3A_497 = arith.constant 29 : i32
    %get3A_498 = arith.index_cast %get3A_497 : i32 to index
    %get3A_499 = arith.constant 0 : index
    %get3A_500 = tpu.vector_load %arg12[%get3A_498, %get3A_499] {strides = array<i32>} : memref<64x16xf32, #tpu.memory_space<vmem>>, vector<16xf32>,
    %add3A_501 = arith.addf %get3A_496, %get3A_500 : vector<16xf32>
    %get3A_502 = arith.constant 30 : i32
    %get3A_503 = arith.index_cast %get3A_502 : i32 to index
    %get3A_504 = arith.constant 0 : index
    %get3A_505 = tpu.vector_load %arg12[%get3A_503, %get3A_504] {strides = array<i32>} : memref<64x16xf32, #tpu.memory_space<vmem>>, vector<16xf32>,
    %add3A_506 = arith.addf %add3A_501, %get3A_505 : vector<16xf32>
    %get3A_507 = arith.constant 31 : i32
    %get3A_508 = arith.index_cast %get3A_507 : i32 to index
    %get3A_509 = arith.constant 0 : index
    %get3A_510 = tpu.vector_load %arg12[%get3A_508, %get3A_509] {strides = array<i32>} : memref<64x16xf32, #tpu.memory_space<vmem>>, vector<16xf32>,
    %add3A_511 = arith.addf %add3A_506, %get3A_510 : vector<16xf32>
    %eq3A_512 = arith.constant 7 : i32
    %eq3A_513 = vector.broadcast %eq3A_512 : i32 to vector<16xi32>
    %eq3A_514 = arith.cmpi eq, %iota3A, %eq3A_513 : vector<16xi32>
    %broadcast_in_dim3A_515 = arith.constant 1.000000e+00 : f32
    %broadcast_in_dim3A_516 = vector.broadcast %broadcast_in_dim3A_515 : f32 to vector<16xf32>
    %reduce_sum3A_517 = arith.constant true
    %reduce_sum3A_518 = vector.broadcast %reduce_sum3A_517 : i1 to vector<16xi1>
    %reduce_sum3A_519 = tpu.scan <sum>, %add3A_511 masked %reduce_sum3A_518 : vector<16xf32>, vector<16xi1> -> vector<16xf32>
    %reduce_sum3A_520 = vector.extract %reduce_sum3A_519[15] : f32 from vector<16xf32>
    %mul3A_521 = vector.broadcast %reduce_sum3A_520 : f32 to vector<16xf32>
    %mul3A_522 = arith.mulf %broadcast_in_dim3A_516, %mul3A_521 : vector<16xf32>
    %select_n3A_523 = arith.select %eq3A_514, %mul3A_522, %broadcast_in_dim3A_12 : vector<16xi1>, vector<16xf32>
    %add3A_524 = arith.addf %add3A_492, %select_n3A_523 : vector<16xf32>
    %get3A_525 = arith.constant 32 : i32
    %get3A_526 = arith.index_cast %get3A_525 : i32 to index
    %get3A_527 = arith.constant 0 : index
    %get3A_528 = tpu.vector_load %arg12[%get3A_526, %get3A_527] {strides = array<i32>} : memref<64x16xf32, #tpu.memory_space<vmem>>, vector<16xf32>,
    %get3A_529 = arith.constant 33 : i32
    %get3A_530 = arith.index_cast %get3A_529 : i32 to index
    %get3A_531 = arith.constant 0 : index
    %get3A_532 = tpu.vector_load %arg12[%get3A_530, %get3A_531] {strides = array<i32>} : memref<64x16xf32, #tpu.memory_space<vmem>>, vector<16xf32>,
    %add3A_533 = arith.addf %get3A_528, %get3A_532 : vector<16xf32>
    %get3A_534 = arith.constant 34 : i32
    %get3A_535 = arith.index_cast %get3A_534 : i32 to index
    %get3A_536 = arith.constant 0 : index
    %get3A_537 = tpu.vector_load %arg12[%get3A_535, %get3A_536] {strides = array<i32>} : memref<64x16xf32, #tpu.memory_space<vmem>>, vector<16xf32>,
    %add3A_538 = arith.addf %add3A_533, %get3A_537 : vector<16xf32>
    %get3A_539 = arith.constant 35 : i32
    %get3A_540 = arith.index_cast %get3A_539 : i32 to index
    %get3A_541 = arith.constant 0 : index
    %get3A_542 = tpu.vector_load %arg12[%get3A_540, %get3A_541] {strides = array<i32>} : memref<64x16xf32, #tpu.memory_space<vmem>>, vector<16xf32>,
    %add3A_543 = arith.addf %add3A_538, %get3A_542 : vector<16xf32>
    %eq3A_544 = arith.constant 8 : i32
    %eq3A_545 = vector.broadcast %eq3A_544 : i32 to vector<16xi32>
    %eq3A_546 = arith.cmpi eq, %iota3A, %eq3A_545 : vector<16xi32>
    %broadcast_in_dim3A_547 = arith.constant 1.000000e+00 : f32
    %broadcast_in_dim3A_548 = vector.broadcast %broadcast_in_dim3A_547 : f32 to vector<16xf32>
    %reduce_sum3A_549 = arith.constant true
    %reduce_sum3A_550 = vector.broadcast %reduce_sum3A_549 : i1 to vector<16xi1>
    %reduce_sum3A_551 = tpu.scan <sum>, %add3A_543 masked %reduce_sum3A_550 : vector<16xf32>, vector<16xi1> -> vector<16xf32>
    %reduce_sum3A_552 = vector.extract %reduce_sum3A_551[15] : f32 from vector<16xf32>
    %mul3A_553 = vector.broadcast %reduce_sum3A_552 : f32 to vector<16xf32>
    %mul3A_554 = arith.mulf %broadcast_in_dim3A_548, %mul3A_553 : vector<16xf32>
    %select_n3A_555 = arith.select %eq3A_546, %mul3A_554, %broadcast_in_dim3A_12 : vector<16xi1>, vector<16xf32>
    %add3A_556 = arith.addf %add3A_524, %select_n3A_555 : vector<16xf32>
    %get3A_557 = arith.constant 36 : i32
    %get3A_558 = arith.index_cast %get3A_557 : i32 to index
    %get3A_559 = arith.constant 0 : index
    %get3A_560 = tpu.vector_load %arg12[%get3A_558, %get3A_559] {strides = array<i32>} : memref<64x16xf32, #tpu.memory_space<vmem>>, vector<16xf32>,
    %get3A_561 = arith.constant 37 : i32
    %get3A_562 = arith.index_cast %get3A_561 : i32 to index
    %get3A_563 = arith.constant 0 : index
    %get3A_564 = tpu.vector_load %arg12[%get3A_562, %get3A_563] {strides = array<i32>} : memref<64x16xf32, #tpu.memory_space<vmem>>, vector<16xf32>,
    %add3A_565 = arith.addf %get3A_560, %get3A_564 : vector<16xf32>
    %get3A_566 = arith.constant 38 : i32
    %get3A_567 = arith.index_cast %get3A_566 : i32 to index
    %get3A_568 = arith.constant 0 : index
    %get3A_569 = tpu.vector_load %arg12[%get3A_567, %get3A_568] {strides = array<i32>} : memref<64x16xf32, #tpu.memory_space<vmem>>, vector<16xf32>,
    %add3A_570 = arith.addf %add3A_565, %get3A_569 : vector<16xf32>
    %get3A_571 = arith.constant 39 : i32
    %get3A_572 = arith.index_cast %get3A_571 : i32 to index
    %get3A_573 = arith.constant 0 : index
    %get3A_574 = tpu.vector_load %arg12[%get3A_572, %get3A_573] {strides = array<i32>} : memref<64x16xf32, #tpu.memory_space<vmem>>, vector<16xf32>,
    %add3A_575 = arith.addf %add3A_570, %get3A_574 : vector<16xf32>
    %eq3A_576 = arith.constant 9 : i32
    %eq3A_577 = vector.broadcast %eq3A_576 : i32 to vector<16xi32>
    %eq3A_578 = arith.cmpi eq, %iota3A, %eq3A_577 : vector<16xi32>
    %broadcast_in_dim3A_579 = arith.constant 1.000000e+00 : f32
    %broadcast_in_dim3A_580 = vector.broadcast %broadcast_in_dim3A_579 : f32 to vector<16xf32>
    %reduce_sum3A_581 = arith.constant true
    %reduce_sum3A_582 = vector.broadcast %reduce_sum3A_581 : i1 to vector<16xi1>
    %reduce_sum3A_583 = tpu.scan <sum>, %add3A_575 masked %reduce_sum3A_582 : vector<16xf32>, vector<16xi1> -> vector<16xf32>
    %reduce_sum3A_584 = vector.extract %reduce_sum3A_583[15] : f32 from vector<16xf32>
    %mul3A_585 = vector.broadcast %reduce_sum3A_584 : f32 to vector<16xf32>
    %mul3A_586 = arith.mulf %broadcast_in_dim3A_580, %mul3A_585 : vector<16xf32>
    %select_n3A_587 = arith.select %eq3A_578, %mul3A_586, %broadcast_in_dim3A_12 : vector<16xi1>, vector<16xf32>
    %add3A_588 = arith.addf %add3A_556, %select_n3A_587 : vector<16xf32>
    %get3A_589 = arith.constant 40 : i32
    %get3A_590 = arith.index_cast %get3A_589 : i32 to index
    %get3A_591 = arith.constant 0 : index
    %get3A_592 = tpu.vector_load %arg12[%get3A_590, %get3A_591] {strides = array<i32>} : memref<64x16xf32, #tpu.memory_space<vmem>>, vector<16xf32>,
    %get3A_593 = arith.constant 41 : i32
    %get3A_594 = arith.index_cast %get3A_593 : i32 to index
    %get3A_595 = arith.constant 0 : index
    %get3A_596 = tpu.vector_load %arg12[%get3A_594, %get3A_595] {strides = array<i32>} : memref<64x16xf32, #tpu.memory_space<vmem>>, vector<16xf32>,
    %add3A_597 = arith.addf %get3A_592, %get3A_596 : vector<16xf32>
    %get3A_598 = arith.constant 42 : i32
    %get3A_599 = arith.index_cast %get3A_598 : i32 to index
    %get3A_600 = arith.constant 0 : index
    %get3A_601 = tpu.vector_load %arg12[%get3A_599, %get3A_600] {strides = array<i32>} : memref<64x16xf32, #tpu.memory_space<vmem>>, vector<16xf32>,
    %add3A_602 = arith.addf %add3A_597, %get3A_601 : vector<16xf32>
    %get3A_603 = arith.constant 43 : i32
    %get3A_604 = arith.index_cast %get3A_603 : i32 to index
    %get3A_605 = arith.constant 0 : index
    %get3A_606 = tpu.vector_load %arg12[%get3A_604, %get3A_605] {strides = array<i32>} : memref<64x16xf32, #tpu.memory_space<vmem>>, vector<16xf32>,
    %add3A_607 = arith.addf %add3A_602, %get3A_606 : vector<16xf32>
    %eq3A_608 = arith.constant 10 : i32
    %eq3A_609 = vector.broadcast %eq3A_608 : i32 to vector<16xi32>
    %eq3A_610 = arith.cmpi eq, %iota3A, %eq3A_609 : vector<16xi32>
    %broadcast_in_dim3A_611 = arith.constant 1.000000e+00 : f32
    %broadcast_in_dim3A_612 = vector.broadcast %broadcast_in_dim3A_611 : f32 to vector<16xf32>
    %reduce_sum3A_613 = arith.constant true
    %reduce_sum3A_614 = vector.broadcast %reduce_sum3A_613 : i1 to vector<16xi1>
    %reduce_sum3A_615 = tpu.scan <sum>, %add3A_607 masked %reduce_sum3A_614 : vector<16xf32>, vector<16xi1> -> vector<16xf32>
    %reduce_sum3A_616 = vector.extract %reduce_sum3A_615[15] : f32 from vector<16xf32>
    %mul3A_617 = vector.broadcast %reduce_sum3A_616 : f32 to vector<16xf32>
    %mul3A_618 = arith.mulf %broadcast_in_dim3A_612, %mul3A_617 : vector<16xf32>
    %select_n3A_619 = arith.select %eq3A_610, %mul3A_618, %broadcast_in_dim3A_12 : vector<16xi1>, vector<16xf32>
    %add3A_620 = arith.addf %add3A_588, %select_n3A_619 : vector<16xf32>
    %get3A_621 = arith.constant 44 : i32
    %get3A_622 = arith.index_cast %get3A_621 : i32 to index
    %get3A_623 = arith.constant 0 : index
    %get3A_624 = tpu.vector_load %arg12[%get3A_622, %get3A_623] {strides = array<i32>} : memref<64x16xf32, #tpu.memory_space<vmem>>, vector<16xf32>,
    %get3A_625 = arith.constant 45 : i32
    %get3A_626 = arith.index_cast %get3A_625 : i32 to index
    %get3A_627 = arith.constant 0 : index
    %get3A_628 = tpu.vector_load %arg12[%get3A_626, %get3A_627] {strides = array<i32>} : memref<64x16xf32, #tpu.memory_space<vmem>>, vector<16xf32>,
    %add3A_629 = arith.addf %get3A_624, %get3A_628 : vector<16xf32>
    %get3A_630 = arith.constant 46 : i32
    %get3A_631 = arith.index_cast %get3A_630 : i32 to index
    %get3A_632 = arith.constant 0 : index
    %get3A_633 = tpu.vector_load %arg12[%get3A_631, %get3A_632] {strides = array<i32>} : memref<64x16xf32, #tpu.memory_space<vmem>>, vector<16xf32>,
    %add3A_634 = arith.addf %add3A_629, %get3A_633 : vector<16xf32>
    %get3A_635 = arith.constant 47 : i32
    %get3A_636 = arith.index_cast %get3A_635 : i32 to index
    %get3A_637 = arith.constant 0 : index
    %get3A_638 = tpu.vector_load %arg12[%get3A_636, %get3A_637] {strides = array<i32>} : memref<64x16xf32, #tpu.memory_space<vmem>>, vector<16xf32>,
    %add3A_639 = arith.addf %add3A_634, %get3A_638 : vector<16xf32>
    %eq3A_640 = arith.constant 11 : i32
    %eq3A_641 = vector.broadcast %eq3A_640 : i32 to vector<16xi32>
    %eq3A_642 = arith.cmpi eq, %iota3A, %eq3A_641 : vector<16xi32>
    %broadcast_in_dim3A_643 = arith.constant 1.000000e+00 : f32
    %broadcast_in_dim3A_644 = vector.broadcast %broadcast_in_dim3A_643 : f32 to vector<16xf32>
    %reduce_sum3A_645 = arith.constant true
    %reduce_sum3A_646 = vector.broadcast %reduce_sum3A_645 : i1 to vector<16xi1>
    %reduce_sum3A_647 = tpu.scan <sum>, %add3A_639 masked %reduce_sum3A_646 : vector<16xf32>, vector<16xi1> -> vector<16xf32>
    %reduce_sum3A_648 = vector.extract %reduce_sum3A_647[15] : f32 from vector<16xf32>
    %mul3A_649 = vector.broadcast %reduce_sum3A_648 : f32 to vector<16xf32>
    %mul3A_650 = arith.mulf %broadcast_in_dim3A_644, %mul3A_649 : vector<16xf32>
    %select_n3A_651 = arith.select %eq3A_642, %mul3A_650, %broadcast_in_dim3A_12 : vector<16xi1>, vector<16xf32>
    %add3A_652 = arith.addf %add3A_620, %select_n3A_651 : vector<16xf32>
    %get3A_653 = arith.constant 48 : i32
    %get3A_654 = arith.index_cast %get3A_653 : i32 to index
    %get3A_655 = arith.constant 0 : index
    %get3A_656 = tpu.vector_load %arg12[%get3A_654, %get3A_655] {strides = array<i32>} : memref<64x16xf32, #tpu.memory_space<vmem>>, vector<16xf32>,
    %get3A_657 = arith.constant 49 : i32
    %get3A_658 = arith.index_cast %get3A_657 : i32 to index
    %get3A_659 = arith.constant 0 : index
    %get3A_660 = tpu.vector_load %arg12[%get3A_658, %get3A_659] {strides = array<i32>} : memref<64x16xf32, #tpu.memory_space<vmem>>, vector<16xf32>,
    %add3A_661 = arith.addf %get3A_656, %get3A_660 : vector<16xf32>
    %get3A_662 = arith.constant 50 : i32
    %get3A_663 = arith.index_cast %get3A_662 : i32 to index
    %get3A_664 = arith.constant 0 : index
    %get3A_665 = tpu.vector_load %arg12[%get3A_663, %get3A_664] {strides = array<i32>} : memref<64x16xf32, #tpu.memory_space<vmem>>, vector<16xf32>,
    %add3A_666 = arith.addf %add3A_661, %get3A_665 : vector<16xf32>
    %get3A_667 = arith.constant 51 : i32
    %get3A_668 = arith.index_cast %get3A_667 : i32 to index
    %get3A_669 = arith.constant 0 : index
    %get3A_670 = tpu.vector_load %arg12[%get3A_668, %get3A_669] {strides = array<i32>} : memref<64x16xf32, #tpu.memory_space<vmem>>, vector<16xf32>,
    %add3A_671 = arith.addf %add3A_666, %get3A_670 : vector<16xf32>
    %eq3A_672 = arith.constant 12 : i32
    %eq3A_673 = vector.broadcast %eq3A_672 : i32 to vector<16xi32>
    %eq3A_674 = arith.cmpi eq, %iota3A, %eq3A_673 : vector<16xi32>
    %broadcast_in_dim3A_675 = arith.constant 1.000000e+00 : f32
    %broadcast_in_dim3A_676 = vector.broadcast %broadcast_in_dim3A_675 : f32 to vector<16xf32>
    %reduce_sum3A_677 = arith.constant true
    %reduce_sum3A_678 = vector.broadcast %reduce_sum3A_677 : i1 to vector<16xi1>
    %reduce_sum3A_679 = tpu.scan <sum>, %add3A_671 masked %reduce_sum3A_678 : vector<16xf32>, vector<16xi1> -> vector<16xf32>
    %reduce_sum3A_680 = vector.extract %reduce_sum3A_679[15] : f32 from vector<16xf32>
    %mul3A_681 = vector.broadcast %reduce_sum3A_680 : f32 to vector<16xf32>
    %mul3A_682 = arith.mulf %broadcast_in_dim3A_676, %mul3A_681 : vector<16xf32>
    %select_n3A_683 = arith.select %eq3A_674, %mul3A_682, %broadcast_in_dim3A_12 : vector<16xi1>, vector<16xf32>
    %add3A_684 = arith.addf %add3A_652, %select_n3A_683 : vector<16xf32>
    %get3A_685 = arith.constant 52 : i32
    %get3A_686 = arith.index_cast %get3A_685 : i32 to index
    %get3A_687 = arith.constant 0 : index
    %get3A_688 = tpu.vector_load %arg12[%get3A_686, %get3A_687] {strides = array<i32>} : memref<64x16xf32, #tpu.memory_space<vmem>>, vector<16xf32>,
    %get3A_689 = arith.constant 53 : i32
    %get3A_690 = arith.index_cast %get3A_689 : i32 to index
    %get3A_691 = arith.constant 0 : index
    %get3A_692 = tpu.vector_load %arg12[%get3A_690, %get3A_691] {strides = array<i32>} : memref<64x16xf32, #tpu.memory_space<vmem>>, vector<16xf32>,
    %add3A_693 = arith.addf %get3A_688, %get3A_692 : vector<16xf32>
    %get3A_694 = arith.constant 54 : i32
    %get3A_695 = arith.index_cast %get3A_694 : i32 to index
    %get3A_696 = arith.constant 0 : index
    %get3A_697 = tpu.vector_load %arg12[%get3A_695, %get3A_696] {strides = array<i32>} : memref<64x16xf32, #tpu.memory_space<vmem>>, vector<16xf32>,
    %add3A_698 = arith.addf %add3A_693, %get3A_697 : vector<16xf32>
    %get3A_699 = arith.constant 55 : i32
    %get3A_700 = arith.index_cast %get3A_699 : i32 to index
    %get3A_701 = arith.constant 0 : index
    %get3A_702 = tpu.vector_load %arg12[%get3A_700, %get3A_701] {strides = array<i32>} : memref<64x16xf32, #tpu.memory_space<vmem>>, vector<16xf32>,
    %add3A_703 = arith.addf %add3A_698, %get3A_702 : vector<16xf32>
    %eq3A_704 = arith.constant 13 : i32
    %eq3A_705 = vector.broadcast %eq3A_704 : i32 to vector<16xi32>
    %eq3A_706 = arith.cmpi eq, %iota3A, %eq3A_705 : vector<16xi32>
    %broadcast_in_dim3A_707 = arith.constant 1.000000e+00 : f32
    %broadcast_in_dim3A_708 = vector.broadcast %broadcast_in_dim3A_707 : f32 to vector<16xf32>
    %reduce_sum3A_709 = arith.constant true
    %reduce_sum3A_710 = vector.broadcast %reduce_sum3A_709 : i1 to vector<16xi1>
    %reduce_sum3A_711 = tpu.scan <sum>, %add3A_703 masked %reduce_sum3A_710 : vector<16xf32>, vector<16xi1> -> vector<16xf32>
    %reduce_sum3A_712 = vector.extract %reduce_sum3A_711[15] : f32 from vector<16xf32>
    %mul3A_713 = vector.broadcast %reduce_sum3A_712 : f32 to vector<16xf32>
    %mul3A_714 = arith.mulf %broadcast_in_dim3A_708, %mul3A_713 : vector<16xf32>
    %select_n3A_715 = arith.select %eq3A_706, %mul3A_714, %broadcast_in_dim3A_12 : vector<16xi1>, vector<16xf32>
    %add3A_716 = arith.addf %add3A_684, %select_n3A_715 : vector<16xf32>
    %get3A_717 = arith.constant 56 : i32
    %get3A_718 = arith.index_cast %get3A_717 : i32 to index
    %get3A_719 = arith.constant 0 : index
    %get3A_720 = tpu.vector_load %arg12[%get3A_718, %get3A_719] {strides = array<i32>} : memref<64x16xf32, #tpu.memory_space<vmem>>, vector<16xf32>,
    %get3A_721 = arith.constant 57 : i32
    %get3A_722 = arith.index_cast %get3A_721 : i32 to index
    %get3A_723 = arith.constant 0 : index
    %get3A_724 = tpu.vector_load %arg12[%get3A_722, %get3A_723] {strides = array<i32>} : memref<64x16xf32, #tpu.memory_space<vmem>>, vector<16xf32>,
    %add3A_725 = arith.addf %get3A_720, %get3A_724 : vector<16xf32>
    %get3A_726 = arith.constant 58 : i32
    %get3A_727 = arith.index_cast %get3A_726 : i32 to index
    %get3A_728 = arith.constant 0 : index
    %get3A_729 = tpu.vector_load %arg12[%get3A_727, %get3A_728] {strides = array<i32>} : memref<64x16xf32, #tpu.memory_space<vmem>>, vector<16xf32>,
    %add3A_730 = arith.addf %add3A_725, %get3A_729 : vector<16xf32>
    %get3A_731 = arith.constant 59 : i32
    %get3A_732 = arith.index_cast %get3A_731 : i32 to index
    %get3A_733 = arith.constant 0 : index
    %get3A_734 = tpu.vector_load %arg12[%get3A_732, %get3A_733] {strides = array<i32>} : memref<64x16xf32, #tpu.memory_space<vmem>>, vector<16xf32>,
    %add3A_735 = arith.addf %add3A_730, %get3A_734 : vector<16xf32>
    %eq3A_736 = arith.constant 14 : i32
    %eq3A_737 = vector.broadcast %eq3A_736 : i32 to vector<16xi32>
    %eq3A_738 = arith.cmpi eq, %iota3A, %eq3A_737 : vector<16xi32>
    %broadcast_in_dim3A_739 = arith.constant 1.000000e+00 : f32
    %broadcast_in_dim3A_740 = vector.broadcast %broadcast_in_dim3A_739 : f32 to vector<16xf32>
    %reduce_sum3A_741 = arith.constant true
    %reduce_sum3A_742 = vector.broadcast %reduce_sum3A_741 : i1 to vector<16xi1>
    %reduce_sum3A_743 = tpu.scan <sum>, %add3A_735 masked %reduce_sum3A_742 : vector<16xf32>, vector<16xi1> -> vector<16xf32>
    %reduce_sum3A_744 = vector.extract %reduce_sum3A_743[15] : f32 from vector<16xf32>
    %mul3A_745 = vector.broadcast %reduce_sum3A_744 : f32 to vector<16xf32>
    %mul3A_746 = arith.mulf %broadcast_in_dim3A_740, %mul3A_745 : vector<16xf32>
    %select_n3A_747 = arith.select %eq3A_738, %mul3A_746, %broadcast_in_dim3A_12 : vector<16xi1>, vector<16xf32>
    %add3A_748 = arith.addf %add3A_716, %select_n3A_747 : vector<16xf32>
    %get3A_749 = arith.constant 60 : i32
    %get3A_750 = arith.index_cast %get3A_749 : i32 to index
    %get3A_751 = arith.constant 0 : index
    %get3A_752 = tpu.vector_load %arg12[%get3A_750, %get3A_751] {strides = array<i32>} : memref<64x16xf32, #tpu.memory_space<vmem>>, vector<16xf32>,
    %get3A_753 = arith.constant 61 : i32
    %get3A_754 = arith.index_cast %get3A_753 : i32 to index
    %get3A_755 = arith.constant 0 : index
    %get3A_756 = tpu.vector_load %arg12[%get3A_754, %get3A_755] {strides = array<i32>} : memref<64x16xf32, #tpu.memory_space<vmem>>, vector<16xf32>,
    %add3A_757 = arith.addf %get3A_752, %get3A_756 : vector<16xf32>
    %get3A_758 = arith.constant 62 : i32
    %get3A_759 = arith.index_cast %get3A_758 : i32 to index
    %get3A_760 = arith.constant 0 : index
    %get3A_761 = tpu.vector_load %arg12[%get3A_759, %get3A_760] {strides = array<i32>} : memref<64x16xf32, #tpu.memory_space<vmem>>, vector<16xf32>,
    %add3A_762 = arith.addf %add3A_757, %get3A_761 : vector<16xf32>
    %get3A_763 = arith.constant 63 : i32
    %get3A_764 = arith.index_cast %get3A_763 : i32 to index
    %get3A_765 = arith.constant 0 : index
    %get3A_766 = tpu.vector_load %arg12[%get3A_764, %get3A_765] {strides = array<i32>} : memref<64x16xf32, #tpu.memory_space<vmem>>, vector<16xf32>,
    %add3A_767 = arith.addf %add3A_762, %get3A_766 : vector<16xf32>
    %eq3A_768 = arith.constant 15 : i32
    %eq3A_769 = vector.broadcast %eq3A_768 : i32 to vector<16xi32>
    %eq3A_770 = arith.cmpi eq, %iota3A, %eq3A_769 : vector<16xi32>
    %broadcast_in_dim3A_771 = arith.constant 1.000000e+00 : f32
    %broadcast_in_dim3A_772 = vector.broadcast %broadcast_in_dim3A_771 : f32 to vector<16xf32>
    %reduce_sum3A_773 = arith.constant true
    %reduce_sum3A_774 = vector.broadcast %reduce_sum3A_773 : i1 to vector<16xi1>
    %reduce_sum3A_775 = tpu.scan <sum>, %add3A_767 masked %reduce_sum3A_774 : vector<16xf32>, vector<16xi1> -> vector<16xf32>
    %reduce_sum3A_776 = vector.extract %reduce_sum3A_775[15] : f32 from vector<16xf32>
    %mul3A_777 = vector.broadcast %reduce_sum3A_776 : f32 to vector<16xf32>
    %mul3A_778 = arith.mulf %broadcast_in_dim3A_772, %mul3A_777 : vector<16xf32>
    %select_n3A_779 = arith.select %eq3A_770, %mul3A_778, %broadcast_in_dim3A_12 : vector<16xi1>, vector<16xf32>
    %add3A_780 = arith.addf %add3A_748, %select_n3A_779 : vector<16xf32>
    %swap3A_781 = arith.constant 0 : index
    %swap3A_782 = tpu.vector_load %arg13[%swap3A_781] {strides = array<i32>} : memref<16xf32, #tpu.memory_space<vmem>>, vector<16xf32>,
    tpu.vector_store %arg13[%swap3A_781], %add3A_780 {strides = array<i32>} : memref<16xf32, #tpu.memory_space<vmem>>, vector<16xf32>,
    "tpu.region"() ({
      %run_scoped3A = tpu.sem_alloc : memref<!tpu.dma_semaphore, #tpu.memory_space<semaphore_mem>>
      %dma_start3A = arith.constant 0 : i32
      %dma_start3A_868 = tpu.memref_slice %arg6[%arg1, %dma_start3A] : memref<16x16xf32, #tpu.memory_space<hbm>> -> memref<1x16xf32, #tpu.memory_space<hbm>>
      %dma_start3A_869 = tpu.memref_squeeze %dma_start3A_868 : memref<1x16xf32, #tpu.memory_space<hbm>> -> memref<16xf32, #tpu.memory_space<hbm>>
      %dma_start3A_870 = arith.constant 0 : i32
      %dma_start3A_871 = tpu.memref_slice %arg6[%arg1, %dma_start3A_870] : memref<16x16xf32, #tpu.memory_space<hbm>> -> memref<1x16xf32, #tpu.memory_space<hbm>>
      %dma_start3A_872 = tpu.memref_squeeze %dma_start3A_871 : memref<1x16xf32, #tpu.memory_space<hbm>> -> memref<16xf32, #tpu.memory_space<hbm>>
      tpu.enqueue_dma source(%arg13 : memref<16xf32, #tpu.memory_space<vmem>>) target(%dma_start3A_872 : memref<16xf32, #tpu.memory_space<hbm>>) target_semaphore(%run_scoped3A : memref<!tpu.dma_semaphore, #tpu.memory_space<semaphore_mem>>)
      %dma_wait3A = arith.constant 0 : i32
      %dma_wait3A_873 = tpu.memref_slice %arg6[%arg1, %dma_wait3A] : memref<16x16xf32, #tpu.memory_space<hbm>> -> memref<1x16xf32, #tpu.memory_space<hbm>>
      %dma_wait3A_874 = tpu.memref_squeeze %dma_wait3A_873 : memref<1x16xf32, #tpu.memory_space<hbm>> -> memref<16xf32, #tpu.memory_space<hbm>>
      %dma_wait3A_875 = arith.constant 0 : i32
      %dma_wait3A_876 = tpu.memref_slice %arg6[%arg1, %dma_wait3A_875] : memref<16x16xf32, #tpu.memory_space<hbm>> -> memref<1x16xf32, #tpu.memory_space<hbm>>
      %dma_wait3A_877 = tpu.memref_squeeze %dma_wait3A_876 : memref<1x16xf32, #tpu.memory_space<hbm>> -> memref<16xf32, #tpu.memory_space<hbm>>
      tpu.wait_dma2 semaphore(%run_scoped3A : memref<!tpu.dma_semaphore, #tpu.memory_space<semaphore_mem>>) src(%arg13 : memref<16xf32, #tpu.memory_space<vmem>>) dst(%dma_wait3A_877 : memref<16xf32, #tpu.memory_space<hbm>>)
      tpu.yield
    }) : () -> ()
    %barrier3A = arith.constant 0 : index
    tpu.barrier barrier_id(%barrier3A)
    "tpu.region"() ({
      %run_scoped3A = tpu.sem_alloc : memref<!tpu.dma_semaphore, #tpu.memory_space<semaphore_mem>>
      tpu.enqueue_dma source(%arg6 : memref<16x16xf32, #tpu.memory_space<hbm>>) target(%arg14 : memref<16x16xf32, #tpu.memory_space<vmem>>) target_semaphore(%run_scoped3A : memref<!tpu.dma_semaphore, #tpu.memory_space<semaphore_mem>>)
      tpu.wait_dma2 semaphore(%run_scoped3A : memref<!tpu.dma_semaphore, #tpu.memory_space<semaphore_mem>>) src(%arg6 : memref<16x16xf32, #tpu.memory_space<hbm>>) dst(%arg14 : memref<16x16xf32, #tpu.memory_space<vmem>>)
      tpu.yield
    }) : () -> ()
    %get3A_783 = arith.constant 0 : i32
    %get3A_784 = arith.index_cast %get3A_783 : i32 to index
    %get3A_785 = arith.constant 0 : index
    %get3A_786 = tpu.vector_load %arg14[%get3A_784, %get3A_785] {strides = array<i32>} : memref<16x16xf32, #tpu.memory_space<vmem>>, vector<16xf32>,
    %get3A_787 = arith.constant 1 : i32
    %get3A_788 = arith.index_cast %get3A_787 : i32 to index
    %get3A_789 = arith.constant 0 : index
    %get3A_790 = tpu.vector_load %arg14[%get3A_788, %get3A_789] {strides = array<i32>} : memref<16x16xf32, #tpu.memory_space<vmem>>, vector<16xf32>,
    %add3A_791 = arith.addf %get3A_786, %get3A_790 : vector<16xf32>
    %get3A_792 = arith.constant 2 : i32
    %get3A_793 = arith.index_cast %get3A_792 : i32 to index
    %get3A_794 = arith.constant 0 : index
    %get3A_795 = tpu.vector_load %arg14[%get3A_793, %get3A_794] {strides = array<i32>} : memref<16x16xf32, #tpu.memory_space<vmem>>, vector<16xf32>,
    %add3A_796 = arith.addf %add3A_791, %get3A_795 : vector<16xf32>
    %get3A_797 = arith.constant 3 : i32
    %get3A_798 = arith.index_cast %get3A_797 : i32 to index
    %get3A_799 = arith.constant 0 : index
    %get3A_800 = tpu.vector_load %arg14[%get3A_798, %get3A_799] {strides = array<i32>} : memref<16x16xf32, #tpu.memory_space<vmem>>, vector<16xf32>,
    %add3A_801 = arith.addf %add3A_796, %get3A_800 : vector<16xf32>
    %get3A_802 = arith.constant 4 : i32
    %get3A_803 = arith.index_cast %get3A_802 : i32 to index
    %get3A_804 = arith.constant 0 : index
    %get3A_805 = tpu.vector_load %arg14[%get3A_803, %get3A_804] {strides = array<i32>} : memref<16x16xf32, #tpu.memory_space<vmem>>, vector<16xf32>,
    %add3A_806 = arith.addf %add3A_801, %get3A_805 : vector<16xf32>
    %get3A_807 = arith.constant 5 : i32
    %get3A_808 = arith.index_cast %get3A_807 : i32 to index
    %get3A_809 = arith.constant 0 : index
    %get3A_810 = tpu.vector_load %arg14[%get3A_808, %get3A_809] {strides = array<i32>} : memref<16x16xf32, #tpu.memory_space<vmem>>, vector<16xf32>,
    %add3A_811 = arith.addf %add3A_806, %get3A_810 : vector<16xf32>
    %get3A_812 = arith.constant 6 : i32
    %get3A_813 = arith.index_cast %get3A_812 : i32 to index
    %get3A_814 = arith.constant 0 : index
    %get3A_815 = tpu.vector_load %arg14[%get3A_813, %get3A_814] {strides = array<i32>} : memref<16x16xf32, #tpu.memory_space<vmem>>, vector<16xf32>,
    %add3A_816 = arith.addf %add3A_811, %get3A_815 : vector<16xf32>
    %get3A_817 = arith.constant 7 : i32
    %get3A_818 = arith.index_cast %get3A_817 : i32 to index
    %get3A_819 = arith.constant 0 : index
    %get3A_820 = tpu.vector_load %arg14[%get3A_818, %get3A_819] {strides = array<i32>} : memref<16x16xf32, #tpu.memory_space<vmem>>, vector<16xf32>,
    %add3A_821 = arith.addf %add3A_816, %get3A_820 : vector<16xf32>
    %get3A_822 = arith.constant 8 : i32
    %get3A_823 = arith.index_cast %get3A_822 : i32 to index
    %get3A_824 = arith.constant 0 : index
    %get3A_825 = tpu.vector_load %arg14[%get3A_823, %get3A_824] {strides = array<i32>} : memref<16x16xf32, #tpu.memory_space<vmem>>, vector<16xf32>,
    %add3A_826 = arith.addf %add3A_821, %get3A_825 : vector<16xf32>
    %get3A_827 = arith.constant 9 : i32
    %get3A_828 = arith.index_cast %get3A_827 : i32 to index
    %get3A_829 = arith.constant 0 : index
    %get3A_830 = tpu.vector_load %arg14[%get3A_828, %get3A_829] {strides = array<i32>} : memref<16x16xf32, #tpu.memory_space<vmem>>, vector<16xf32>,
    %add3A_831 = arith.addf %add3A_826, %get3A_830 : vector<16xf32>
    %get3A_832 = arith.constant 10 : i32
    %get3A_833 = arith.index_cast %get3A_832 : i32 to index
    %get3A_834 = arith.constant 0 : index
    %get3A_835 = tpu.vector_load %arg14[%get3A_833, %get3A_834] {strides = array<i32>} : memref<16x16xf32, #tpu.memory_space<vmem>>, vector<16xf32>,
    %add3A_836 = arith.addf %add3A_831, %get3A_835 : vector<16xf32>
    %get3A_837 = arith.constant 11 : i32
    %get3A_838 = arith.index_cast %get3A_837 : i32 to index
    %get3A_839 = arith.constant 0 : index
    %get3A_840 = tpu.vector_load %arg14[%get3A_838, %get3A_839] {strides = array<i32>} : memref<16x16xf32, #tpu.memory_space<vmem>>, vector<16xf32>,
    %add3A_841 = arith.addf %add3A_836, %get3A_840 : vector<16xf32>
    %get3A_842 = arith.constant 12 : i32
    %get3A_843 = arith.index_cast %get3A_842 : i32 to index
    %get3A_844 = arith.constant 0 : index
    %get3A_845 = tpu.vector_load %arg14[%get3A_843, %get3A_844] {strides = array<i32>} : memref<16x16xf32, #tpu.memory_space<vmem>>, vector<16xf32>,
    %add3A_846 = arith.addf %add3A_841, %get3A_845 : vector<16xf32>
    %get3A_847 = arith.constant 13 : i32
    %get3A_848 = arith.index_cast %get3A_847 : i32 to index
    %get3A_849 = arith.constant 0 : index
    %get3A_850 = tpu.vector_load %arg14[%get3A_848, %get3A_849] {strides = array<i32>} : memref<16x16xf32, #tpu.memory_space<vmem>>, vector<16xf32>,
    %add3A_851 = arith.addf %add3A_846, %get3A_850 : vector<16xf32>
    %get3A_852 = arith.constant 14 : i32
    %get3A_853 = arith.index_cast %get3A_852 : i32 to index
    %get3A_854 = arith.constant 0 : index
    %get3A_855 = tpu.vector_load %arg14[%get3A_853, %get3A_854] {strides = array<i32>} : memref<16x16xf32, #tpu.memory_space<vmem>>, vector<16xf32>,
    %add3A_856 = arith.addf %add3A_851, %get3A_855 : vector<16xf32>
    %get3A_857 = arith.constant 15 : i32
    %get3A_858 = arith.index_cast %get3A_857 : i32 to index
    %get3A_859 = arith.constant 0 : index
    %get3A_860 = tpu.vector_load %arg14[%get3A_858, %get3A_859] {strides = array<i32>} : memref<16x16xf32, #tpu.memory_space<vmem>>, vector<16xf32>,
    %add3A_861 = arith.addf %add3A_856, %get3A_860 : vector<16xf32>
    %broadcast_in_dim3A_862 = arith.constant 1.000000e+00 : f32
    %broadcast_in_dim3A_863 = vector.broadcast %broadcast_in_dim3A_862 : f32 to vector<16xf32>
    %div3A = arith.divf %broadcast_in_dim3A_863, %add3A_861 : vector<16xf32>
    %swap3A_864 = arith.constant 0 : index
    %swap3A_865 = tpu.vector_load %arg13[%swap3A_864] {strides = array<i32>} : memref<16xf32, #tpu.memory_space<vmem>>, vector<16xf32>,
    tpu.vector_store %arg13[%swap3A_864], %div3A {strides = array<i32>} : memref<16xf32, #tpu.memory_space<vmem>>, vector<16xf32>,
    %parallel_loop3A = arith.constant 0 : i32
    %parallel_loop3A_866 = arith.constant 128 : i32
    %parallel_loop3A_867 = arith.constant 1 : i32
    scf.for %parallel_loop3A_868 = %parallel_loop3A to %parallel_loop3A_866 step %parallel_loop3A_867  : i32 {
      %parallel_loop3A_869 = arith.constant 16 : i32
      %parallel_loop3A_870 = arith.muli %parallel_loop3A_868, %parallel_loop3A_869 : i32
      %parallel_loop3A_871 = arith.index_cast %parallel_loop3A_870 : i32 to index
      %parallel_loop3A_872 = tpu.vector_load %arg9[%parallel_loop3A_871] {strides = array<i32>} : memref<2048xi32, #tpu.memory_space<vmem>>, vector<16xi32>,
      %parallel_loop3A_873 = tpu.vector_load_idx %arg13[%parallel_loop3A_872] : memref<16xf32, #tpu.memory_space<vmem>>[vector<16xi32>], vector<16xf32>,
      %parallel_loop3A_874 = arith.index_cast %parallel_loop3A_870 : i32 to index
      %parallel_loop3A_875 = tpu.vector_load %arg8[%parallel_loop3A_874] {strides = array<i32>} : memref<2048xf32, #tpu.memory_space<vmem>>, vector<16xf32>,
      %parallel_loop3A_876 = arith.mulf %parallel_loop3A_875, %parallel_loop3A_873 : vector<16xf32>
      %parallel_loop3A_877 = arith.index_cast %parallel_loop3A_870 : i32 to index
      %parallel_loop3A_878 = tpu.vector_load %arg8[%parallel_loop3A_877] {strides = array<i32>} : memref<2048xf32, #tpu.memory_space<vmem>>, vector<16xf32>,
      tpu.vector_store %arg8[%parallel_loop3A_877], %parallel_loop3A_876 {strides = array<i32>} : memref<2048xf32, #tpu.memory_space<vmem>>, vector<16xf32>,
    } {sc.loop_unroll_factor = 4 : i64, sc.parallel_access}
    "tpu.region"() ({
      %run_scoped3A = tpu.sem_alloc : memref<!tpu.dma_semaphore, #tpu.memory_space<semaphore_mem>>
      %dma_start3A = tpu.memref_slice %arg5[%mul3A_0] : memref<32768xf32, #tpu.memory_space<hbm>> -> memref<2048xf32, #tpu.memory_space<hbm>>
      %dma_start3A_868 = tpu.memref_slice %arg5[%mul3A_0] : memref<32768xf32, #tpu.memory_space<hbm>> -> memref<2048xf32, #tpu.memory_space<hbm>>
      tpu.enqueue_dma source(%arg8 : memref<2048xf32, #tpu.memory_space<vmem>>) target(%dma_start3A_868 : memref<2048xf32, #tpu.memory_space<hbm>>) target_semaphore(%run_scoped3A : memref<!tpu.dma_semaphore, #tpu.memory_space<semaphore_mem>>)
      %dma_wait3A = tpu.memref_slice %arg5[%mul3A_0] : memref<32768xf32, #tpu.memory_space<hbm>> -> memref<2048xf32, #tpu.memory_space<hbm>>
      %dma_wait3A_869 = tpu.memref_slice %arg5[%mul3A_0] : memref<32768xf32, #tpu.memory_space<hbm>> -> memref<2048xf32, #tpu.memory_space<hbm>>
      tpu.wait_dma2 semaphore(%run_scoped3A : memref<!tpu.dma_semaphore, #tpu.memory_space<semaphore_mem>>) src(%arg8 : memref<2048xf32, #tpu.memory_space<vmem>>) dst(%dma_wait3A_869 : memref<2048xf32, #tpu.memory_space<hbm>>)
      tpu.yield
    }) : () -> ()
    return
  }
}

</mosaic_0001>

<sc_bundles>
// kernel: kernel.3.cloned.1.call-start
scs
__scs_entry_jumppad:
0x0: {  	(pc) =	sbr.rel $0x88, $3  }
0x1: {  	(tag) =	ssettag $0x0;
	lr =	simm.s32 $0x1  }
0x2: {  	[smem:$0x3F9E] =	sst lr;
	_ =	strace $0xD0000000  }
0x3: {  	_ = 	snop  }
0x4: {  	_ = 	snop  }
0x5: {  	_ = 	snop  }
0x6: {  	_ = 	snop  }
0x7: {  	_ = 	snop  }
__scs_overlays_trampoline_lowered:
0x8: {  	[smem:$0x3FAD] =	sst s0  }
0x9: {  	[smem:$0x3FAE] =	sst s1  }
0xa: {  	[smem:$0x3FAF] =	sst s2  }
0xb: {  	[smem:$0x3FB0] =	sst s3  }
0xc: {  	[smem:$0x3FB1] =	sst s4  }
0xd: {  	[smem:$0x3FB2] =	sst s5  }
0xe: {  	[smem:$0x3FB3] =	sst s6  }
0xf: {  	[smem:$0x3FB4] =	sst s7  }
0x10: {  	[smem:$0x3FB5] =	sst s8  }
0x11: {  	[smem:$0x3FB6] =	sst s9;
	s0 =	simm.s32 @!p0 $0x0  }
0x12: {  	s1 =	sld [smem:$0x3F9C];
	s0 =	simm.s32 @p0 $0x1  }
0x13: {  	[smem:$0x3FB7] =	sst s0;
	s0 =	simm.s32 @!p1 $0x0  }
0x14: {  	s2 =	sld [smem:$0x3F9B];
	s0 =	simm.s32 @p1 $0x1  }
0x15: {  	[smem:$0x3FB8] =	sst s0;
	s0 =	simm.s32 @!p2 $0x0  }
0x16: {  	s3 =	sld [smem:$0x3FDB];
	s0 =	simm.s32 @p2 $0x1  }
0x17: {  	s4 =	simm.s32 $0x1BF5;
	[smem:$0x3FBA] =	sst s0  }
0x18: {  	s0 =	sld [smem:$0x3F9D];
	_ =	swait.ge [sflag:s4], $0x0  }
0x19: {  	s7 =	sld [smem:$0x3F9E]  }
0x1a: {  	s8 =	sadd.s32 $0xFFFFE003, lr  }
0x1b: {  	s9 =	sadd.s32 $0xFFFFFEF7, lr;
	s5 =	simm.s32 $0xFFFFFFFF;
	p2 =	slt.u32 s8, $0xFFFFF086  }
0x1c: {  	p1 =	slt.u32 s9, $0xF7A;
	s5 =	simm.s32 @!p2 $0x0  }
0x1d: {  	s5 =	simm.s32 @p1 $0x1;
	p0 =	seq.s32 s7, s2  }
0x1e: {  	s7 =	smul.u32 @!p0 $0xF7A, s2;
	p2 =	seq.s32 @!p0 s5, $0x0  }
0x1f: {  	s9 =	smul.u32 $0xF7A, s1;
	s8 =	simm.s32 @!p0 $0x1BF5;
	p2 =	por !p2, p0  }
0x20: {  	[sflag:s8] =	ssyncset.s32 @!p0 $0xFFFFF086;
	s6 =	sadd.s32 @!p0 s3, s7;
	s7 =	simm.s32 @!p0 $0x108  }
0x21: {  	s3 =	sadd.s32 s3, s9;
	s6 =	sadd.s32 @!p0 $0x88, s6;
	s7 =	simm.s32 @p2 $0x1082  }
0x22: {  	[simem:s7], [sflag:s8] =	dma.local @!p0 [hbm:s6], $0xF7A  }
0x23: {  	s9 =	sor.u32 $0xD0000000, s2;
	s6 =	simm.s32 $0x108;
	_ =	swait.ge @!p0 [sflag:s8], $0x0  }
0x24: {  	s3 =	sadd.s32 $0x88, s3;
	s6 =	simm.s32 @!p1 $0x1082;
	[sflag:s4] =	ssyncset.s32 $0xFFFFF086  }
0x25: {  	[simem:s6], [sflag:s4] =	dma.local [hbm:s3], $0xF7A  }
0x26: {  	[smem:$0x3F9E] =	sst s1;
	(tag) =	ssettag s2;
	_ =	strace s9  }
0x27: {  	s1 =	sld [smem:$0x3FAE]  }
0x28: {  	s2 =	sld [smem:$0x3FAF]  }
0x29: {  	s4 =	sld [smem:$0x3FB1]  }
0x2a: {  	p0 =	seq.s32 s5, $0x0;
	s5 =	sld [smem:$0x3FB2]  }
0x2b: {  	s6 =	sld [smem:$0x3FB3]  }
0x2c: {  	s7 =	sld [smem:$0x3FB4]  }
0x2d: {  	s3 =	simm.s32 $0x108;
	s8 =	sld [smem:$0x3FB5]  }
0x2e: {  	s3 =	simm.s32 @!p0 $0x1082;
	s9 =	sld [smem:$0x3FB6]  }
0x2f: {  	lr =	sadd.s32 s0, s3;
	s0 =	sld [smem:$0x3FAD]  }
0x30: {  	s3 =	sld [smem:$0x3FB0]  }
0x31: {  	[smem:$0x3FB9] =	sst s10  }
0x32: {  	s10 =	sld [smem:$0x3FB7];
	_ =	sdelay $0x3  }
0x33: {  	p0 =	seq.s32 s10, $0x1;
	s10 =	sld [smem:$0x3FB9];
	_ =	sdelay $0x3  }
0x34: {  	[smem:$0x3FB9] =	sst s10  }
0x35: {  	s10 =	sld [smem:$0x3FB8];
	_ =	sdelay $0x3  }
0x36: {  	p1 =	seq.s32 s10, $0x1;
	s10 =	sld [smem:$0x3FB9];
	_ =	sdelay $0x3  }
0x37: {  	[smem:$0x3FB9] =	sst s10  }
0x38: {  	s10 =	sld [smem:$0x3FBA]  }
0x39: {  	_ = 	snop;
	(pc) =	sbr.ind lr, $3  }
0x3a: {  	_ = 	snop  }
0x3b: {  	_ = 	snop  }
0x3c: {  	p2 =	seq.s32 s10, $0x1;
	s10 =	sld [smem:$0x3FB9]  }
0x3d: {  	_ =	shalt  }
0x3e: {  	_ =	shalt  }
0x3f: {  	_ =	shalt  }
0x40: {  	_ =	shalt  }
0x41: {  	_ =	shalt  }
0x42: {  	_ =	shalt  }
0x43: {  	_ =	shalt  }
0x44: {  	_ =	shalt  }
0x45: {  	_ =	shalt  }
0x46: {  	_ =	shalt  }
0x47: {  	_ =	shalt  }
0x48: {  	_ =	shalt  }
0x49: {  	_ =	shalt  }
0x4a: {  	_ =	shalt  }
0x4b: {  	_ =	shalt  }
0x4c: {  	_ =	shalt  }
0x4d: {  	_ =	shalt  }
0x4e: {  	_ =	shalt  }
0x4f: {  	_ =	shalt  }
0x50: {  	_ =	shalt  }
0x51: {  	_ =	shalt  }
0x52: {  	_ =	shalt  }
0x53: {  	_ =	shalt  }
0x54: {  	_ =	shalt  }
0x55: {  	_ =	shalt  }
0x56: {  	_ =	shalt  }
0x57: {  	_ =	shalt  }
0x58: {  	_ =	shalt  }
0x59: {  	_ =	shalt  }
0x5a: {  	_ =	shalt  }
0x5b: {  	_ =	shalt  }
0x5c: {  	_ =	shalt  }
0x5d: {  	_ =	shalt  }
0x5e: {  	_ =	shalt  }
0x5f: {  	_ =	shalt  }
0x60: {  	_ =	shalt  }
0x61: {  	_ =	shalt  }
0x62: {  	_ =	shalt  }
0x63: {  	_ =	shalt  }
0x64: {  	_ =	shalt  }
0x65: {  	_ =	shalt  }
0x66: {  	_ =	shalt  }
0x67: {  	_ =	shalt  }
0x68: {  	_ =	shalt  }
0x69: {  	_ =	shalt  }
0x6a: {  	_ =	shalt  }
0x6b: {  	_ =	shalt  }
0x6c: {  	_ =	shalt  }
0x6d: {  	_ =	shalt  }
0x6e: {  	_ =	shalt  }
0x6f: {  	_ =	shalt  }
0x70: {  	_ =	shalt  }
0x71: {  	_ =	shalt  }
0x72: {  	_ =	shalt  }
0x73: {  	_ =	shalt  }
0x74: {  	_ =	shalt  }
0x75: {  	_ =	shalt  }
0x76: {  	_ =	shalt  }
0x77: {  	_ =	shalt  }
0x78: {  	_ =	shalt  }
0x79: {  	_ =	shalt  }
0x7a: {  	_ =	shalt  }
0x7b: {  	_ =	shalt  }
0x7c: {  	_ =	shalt  }
0x7d: {  	_ =	shalt  }
0x7e: {  	_ =	shalt  }
0x7f: {  	_ =	shalt  }
0x80: {  	_ =	shalt  }
0x81: {  	_ =	shalt  }
0x82: {  	_ =	shalt  }
0x83: {  	_ =	shalt  }
0x84: {  	_ =	shalt  }
0x85: {  	_ =	shalt  }
0x86: {  	_ =	shalt  }
0x87: {  	_ =	shalt  }
.Lfunc_end0:
.L_simem_size_0:
called_computation_lowered:
.L_overlay_start_0:
0x88: {  	s0 =	sld [smem:$0x3FD9]  }
0x89: {  	s1 =	sld [smem:$0x3FFE];
	_ =	sdelay $0x3  }
0x8a: {  	s0 =	sadd.s32 s1, s0  }
0x8b: {  	[smem:$0x3FC5] =	sst s0  }
0x8c: {  	_ = 	snop  }
0x8d: {  	s0 =	sld [smem:$0x3FC9]  }
0x8e: {  	s16 =	sld [smem:$0x3FD0];
	(tm) =	ssettm $0x1  }
0x8f: {  	s2 =	sld [smem:$0x3FFB];
	_ =	sdelay $0x3  }
0x90: {  	_ =	strace s2  }
0x91: {  	s2 =	sld [smem:$0x3FFC];
	_ =	sdelay $0x3  }
0x92: {  	_ =	strace s2  }
0x93: {  	s2 =	sld [smem:$0x3FFD];
	_ =	sdelay $0x3  }
0x94: {  	_ =	strace s2  }
0x95: {  	_ =	strace $0x8FFFFFFF  }
0x96: {  	s17 =	sld [smem:$0x3FDB];
	_ =	sdelay $0x1  }
0x97: {  	s3 =	simm.s32 $_scs_section_size  }
0x98: {  	s4 =	simm.s32 $_size__tile_overlayer_lowered;
	s5 =	simm.s32 $_tile_overlayer_lowered  }
0x99: {  	s20 =	simm.s32 $0x1BFF;
	s19 =	sshll.u32 s5, $0x1;
	s2 =	sadd.s32 s3, s17  }
0x9a: {  	s6 =	simm.s32 $0x0;
	s18 =	sshll.u32 s4, $0x1;
	s4 =	sadd.s32 s19, s2  }
0x9b: {  	[timem:s6], [sflag:s20] =	dma.local [hbm:s4], s18  }
0x9c: {  	_ =	swait.ge [sflag:s20], s18  }
0x9d: {  	s3 =	ssub.s32 $0x0, s18;
	[sflag:s20] =	ssyncset.done $0x0  }
0x9e: {  	[sflag:s20] =	ssyncadd.s32 s3;
	_ =	sdelay $0x1  }
0x9f: {  	s21 =	simm.s32 $0x1B8B  }
0xa0: {  	_ =	swait.ge [sflag:s21], $0x1  }
0xa1: {  	[sflag:s21] =	ssyncset.done $0x0  }
0xa2: {  	s23 =	simm.s32 $0x1B8E;
	s22 =	sld [smem:$0x3FFE];
	[sflag:s21] =	ssyncadd.s32 $0xFFFFFFFF  }
0xa3: {  	s24 =	simm.s32 $execute0_lowered;
	[smem:$0x3FD2] =	sst s23  }
0xa4: {  	s4 =	sshll.u32 s24, $0x1;
	_ =	strace $0x80000046;
	[dreg:$0x1] =	wrdreg $0xFFFFFFFF  }
0xa5: {  	s25 =	simm.s32 $_size_execute0_lowered;
	s2 =	sadd.s32 s2, s4;
	[dreg:$0x0] =	wrdreg $0x0  }
0xa6: {  	s4 =	sshll.u32 s25, $0x1;
	[dreg:$0x2] =	wrdreg s2  }
0xa7: {  	[dreg:$0x3] =	wrdreg s4  }
0xa8: {  	[dreg:$0x4] =	wrdreg $0xC0  }
0xa9: {  	_ =	task [dreg:s6], $0x5FFFF  }
0xaa: {  	[dreg:$0x1] =	wrdreg $0xFFFFFFFF  }
0xab: {  	[dreg:$0x0] =	wrdreg $0x60  }
0xac: {  	[dreg:$0x2] =	wrdreg s0  }
0xad: {  	[dreg:$0x3] =	wrdreg s22  }
0xae: {  	[dreg:$0x4] =	wrdreg s16  }
0xaf: {  	[dreg:$0x5] =	wrdreg $0x9  }
0xb0: {  	_ =	task.clear_ibuf [dreg:s6], $0x6FFFF;
	_ =	strace $0x90000046  }
0xb1: {  	s26 =	simm.s32 $0x9;
	_ =	strace $0x80000048  }
0xb2: {  	_ =	swait.ge [sflag:s26], $0x1  }
0xb3: {  	[sflag:s26] =	ssyncadd.s32 $0xFFFFFFFF  }
0xb4: {  	_ =	strace $0x90000048  }
0xb5: {  	_ =	sfence  }
0xb6: {  	s28 =	sld [smem:$0x0];
	_ =	sdelay $0x1  }
0xb7: {  	s29 =	srdreg.scid  }
0xb8: {  	s30 =	sshll.u32 s29, $0xD;
	s31 =	sshrl.u32 s29, $0x2  }
0xb9: {  	s1 =	sand.u32 $0x1, s29;
	s2 =	sand.u32 $0x4000, s30;
	s0 =	sadd.s32 s31, s28  }
0xba: {  	s1 =	sor.u32 s2, s1;
	s0 =	sshll.u32 s0, $0x11  }
0xbb: {  	s0 =	sor.u32 s0, s1  }
0xbc: {  	s0 =	sadd.s32 $0x8F2B, s0  }
0xbd: {  	[sflag:s0] =	ssyncadd.remote.s32 $0x1  }
0xbe: {  	_ =	sfence.sel $0xFFFF  }
0xbf: {  	[dreg:$0x0] =	wrdreg $0xFFFFFFFF;
	(pc) =	sbr.abs _section_cstart, $3  }
0xc0: {  	[dreg:$0x1] =	wrdreg $0xFFFFFFFF  }
0xc1: {  	_ =	task.clear_ibuf [dreg:s6], $0x2FFFF;
	_ =	strace $0x9FFFFFFF  }
0xc2: {  	(tm) =	ssettm $0x7FFFFFFF  }
0xc3: {  	_ =	shalt  }
tec
execute0_lowered:
.L_overlay_start_1:
0x0: {  	(tag) =	ssettag $0x1  }
0x1: {  	s6 =	rddreg [dreg:$0x0]  }
0x2: {  	s4 =	rddreg [dreg:$0x1]  }
0x3: {  	s2 =	rddreg [dreg:$0x2]  }
0x4: {  	s0 =	rddreg [dreg:$0x3];
	s5 =	simm.s32 $0x0;
	s1 =	stileid.u32  }
0x5: {  	[smem:$0x7FF] =	sst s5;
	s3 =	sshll.u32 s1, $0x8  }
0x6: {  	s7 =	simm.s32 $0x1;
	_ =	strace $0x80000047;
	s6 =	sadd.s32 s6, s3  }
0x7: {  	[tilespmem:s5], [sflag:$0x1] =	stream.linear.gather [hbm4b:s6+s5], $0x800, $0x38;
	[tilespmem:$0x4180] =	vst v63  }
0x8: {  	_ =	swait.ge [sflag:s7], $0x800  }
0x9: {  	[sflag:s7] =	ssyncset.done $0x0  }
0xa: {  	s8 =	simm.s32 $0x1800;
	s30 =	sadd.s32 $0xE00, s4;
	[sflag:s7] =	ssyncadd.s32 $0xFFFFF800  }
0xb: {  	[tilespmem:s8], [sflag:$0x1] =	stream.linear.gather [hbm4b:s30+s5], $0x80, $0x38;
	[tilespmem:$0x4180] =	vst v63  }
0xc: {  	_ =	swait.ge [sflag:s7], $0x80  }
0xd: {  	[sflag:s7] =	ssyncset.done $0x0  }
0xe: {  	s31 =	sadd.s32 $0xC00, s4;
	s6 =	simm.s32 $0x1880;
	[sflag:s7] =	ssyncadd.s32 $0xFFFFFF80  }
0xf: {  	[tilespmem:s6], [sflag:$0x1] =	stream.linear.gather [hbm4b:s31+s5], $0x80, $0x38;
	[tilespmem:$0x4180] =	vst v63  }
0x10: {  	_ =	swait.ge [sflag:s7], $0x80  }
0x11: {  	[sflag:s7] =	ssyncset.done $0x0  }
0x12: {  	v10 =	vimm.f32 $0.0e+00;
	[sflag:s7] =	ssyncadd.s32 $0xFFFFFF80  }
0x13: {  	[tilespmem:$0x1900] =	vst v10  }
0x14: {  	[tilespmem:$0x1980] =	vst v10  }
0x15: {  	[tilespmem:$0x1A00] =	vst v10  }
0x16: {  	[tilespmem:$0x1A80] =	vst v10  }
0x17: {  	[tilespmem:$0x1B00] =	vst v10  }
0x18: {  	[tilespmem:$0x1B80] =	vst v10  }
0x19: {  	[tilespmem:$0x1C00] =	vst v10  }
0x1a: {  	[tilespmem:$0x1C80] =	vst v10  }
0x1b: {  	[tilespmem:$0x1D00] =	vst v10  }
0x1c: {  	[tilespmem:$0x1D80] =	vst v10  }
0x1d: {  	[tilespmem:$0x1E00] =	vst v10  }
0x1e: {  	[tilespmem:$0x1E80] =	vst v10  }
0x1f: {  	[tilespmem:$0x1F00] =	vst v10  }
0x20: {  	[tilespmem:$0x1F80] =	vst v10  }
0x21: {  	[tilespmem:$0x2000] =	vst v10  }
0x22: {  	[tilespmem:$0x2080] =	vst v10  }
0x23: {  	[tilespmem:$0x2100] =	vst v10  }
0x24: {  	[tilespmem:$0x2180] =	vst v10  }
0x25: {  	[tilespmem:$0x2200] =	vst v10  }
0x26: {  	[tilespmem:$0x2280] =	vst v10  }
0x27: {  	[tilespmem:$0x2300] =	vst v10  }
0x28: {  	[tilespmem:$0x2380] =	vst v10  }
0x29: {  	[tilespmem:$0x2400] =	vst v10  }
0x2a: {  	[tilespmem:$0x2480] =	vst v10  }
0x2b: {  	[tilespmem:$0x2500] =	vst v10  }
0x2c: {  	[tilespmem:$0x2580] =	vst v10  }
0x2d: {  	[tilespmem:$0x2600] =	vst v10  }
0x2e: {  	[tilespmem:$0x2680] =	vst v10  }
0x2f: {  	[tilespmem:$0x2700] =	vst v10  }
0x30: {  	[tilespmem:$0x2780] =	vst v10  }
0x31: {  	[tilespmem:$0x2800] =	vst v10  }
0x32: {  	[tilespmem:$0x2880] =	vst v10  }
0x33: {  	[tilespmem:$0x2900] =	vst v10  }
0x34: {  	[tilespmem:$0x2980] =	vst v10  }
0x35: {  	[tilespmem:$0x2A00] =	vst v10  }
0x36: {  	[tilespmem:$0x2A80] =	vst v10  }
0x37: {  	[tilespmem:$0x2B00] =	vst v10  }
0x38: {  	[tilespmem:$0x2B80] =	vst v10  }
0x39: {  	[tilespmem:$0x2C00] =	vst v10  }
0x3a: {  	[tilespmem:$0x2C80] =	vst v10  }
0x3b: {  	[tilespmem:$0x2D00] =	vst v10  }
0x3c: {  	[tilespmem:$0x2D80] =	vst v10  }
0x3d: {  	[tilespmem:$0x2E00] =	vst v10  }
0x3e: {  	[tilespmem:$0x2E80] =	vst v10  }
0x3f: {  	[tilespmem:$0x2F00] =	vst v10  }
0x40: {  	[tilespmem:$0x2F80] =	vst v10  }
0x41: {  	[tilespmem:$0x3000] =	vst v10  }
0x42: {  	[tilespmem:$0x3080] =	vst v10  }
0x43: {  	[tilespmem:$0x3100] =	vst v10  }
0x44: {  	[tilespmem:$0x3180] =	vst v10  }
0x45: {  	[tilespmem:$0x3200] =	vst v10  }
0x46: {  	[tilespmem:$0x3280] =	vst v10  }
0x47: {  	[tilespmem:$0x3300] =	vst v10  }
0x48: {  	[tilespmem:$0x3380] =	vst v10  }
0x49: {  	[tilespmem:$0x3400] =	vst v10  }
0x4a: {  	[tilespmem:$0x3480] =	vst v10  }
0x4b: {  	[tilespmem:$0x3500] =	vst v10  }
0x4c: {  	[tilespmem:$0x3580] =	vst v10  }
0x4d: {  	v0 =	vlaneseq.u32;
	[tilespmem:$0x3600] =	vst v10  }
0x4e: {  	v2 =	vshrl.u32 v0, $0x2;
	[tilespmem:$0x3680] =	vst v10  }
0x4f: {  	v2 =	vmul.u32 $0x4, v2;
	v1 =	vld [tilespmem:$0x1800];
	[tilespmem:$0x3700] =	vst v10  }
0x50: {  	v9 =	vimm.s32 $0x8;
	v3 =	vld [tilespmem:$0x1810];
	[tilespmem:$0x3780] =	vst v10  }
0x51: {  	s9 =	simm.s32 $0x820;
	s10 =	simm.s32 $0x1900;
	s11 =	simm.s32 $0x0;
	v11 =	vor.u32 $0x100, v0;
	v12 =	vor.u32 $0x180, v0;
	v5 =	vor.u32 $0x1, v2;
	v4 =	vld [tilespmem:$0x1820];
	[tilespmem:$0x3800] =	vst v10  }
0x52: {  	s4 =	sadd.s32 $0x1000, s4;
	v7 =	vor.u32 $0x2, v2;
	v8 =	vor.u32 $0x3, v2;
	s8 =	simm.s32 $0x1020;
	s7 =	sshll.u32 s1, $0xB;
	v6 =	vld [tilespmem:$0x1830];
	[tilespmem:$0x3880] =	vst v10;
	v10 =	vor.u32 $0x80, v0  }
.LBB2_1:
0x53: {  	v13 =	vor.u32 s11, v2  }
0x54: {  	v14 =	vor.u32 s11, v5;
	_ =	sdelay $0x1  }
0x55: {  	v15 =	vor.u32 s11, v7;
	_ =	sdelay $0x1  }
0x56: {  	v16 =	vor.u32 s11, v8;
	v13 =	vld.idx.msk [tilespmem:v13+s5+$0x0], $0xffff  }
0x57: {  	v14 =	vld.idx.msk [tilespmem:v14+s5+$0x0], $0xffff;
	_ =	sdelay $0x1  }
0x58: {  	v15 =	vld.idx.msk [tilespmem:v15+s5+$0x0], $0xffff;
	_ =	sdelay $0x1  }
0x59: {  	v16 =	vld.idx.msk [tilespmem:v16+s5+$0x0], $0xffff  }
0x5a: {  	v13 =	vmul.f32 v13, v1;
	v14 =	vmul.f32 v14, v3;
	_ =	sdelay $0x1  }
0x5b: {  	v13 =	vadd.f32 v14, v13;
	v14 =	vmul.f32 v15, v4;
	_ =	sdelay $0x1  }
0x5c: {  	v13 =	vadd.f32 v14, v13;
	v14 =	vmul.f32 v16, v6;
	_ =	sdelay $0x1  }
0x5d: {  	v13 =	vadd.f32 v14, v13;
	_ =	sdelay $0x1  }
0x5e: {  	[tilespmem:s9+$0xFFFFFFE0] =	vst v13  }
0x5f: {  	v14 =	vld.idx.msk [tilespmem:v9+s6+$0x0], $0xffff;
	_ =	sdelay $0x2  }
0x60: {  	s12 =	sadd.s32 s11, s7  }
0x61: {  	v15 =	vor.u32 s12, v0  }
0x62: {  	vm0 =	vgt.s32 v14, v15  }
0x63: {  	v14 =	vsel vm0, $0x0, v9  }
0x64: {  	v40 =	vor.u32 $0x4, v14;
	_ =	sdelay $0x4  }
0x65: {  	v17 =	vld.idx.msk [tilespmem:v40+s6+$0x0], $0xffff;
	_ =	sdelay $0x4  }
0x66: {  	vm13 =	vgt.s32 v17, v15  }
0x67: {  	v14 =	vsel vm13, v14, v40  }
0x68: {  	v16 =	vor.u32 $0x2, v14;
	_ =	sdelay $0x4  }
0x69: {  	v41 =	vld.idx.msk [tilespmem:v16+s6+$0x0], $0xffff;
	_ =	sdelay $0x4  }
0x6a: {  	vm14 =	vgt.s32 v41, v15  }
0x6b: {  	v14 =	vsel vm14, v14, v16  }
0x6c: {  	v16 =	vor.u32 $0x1, v14;
	_ =	sdelay $0x4  }
0x6d: {  	v42 =	vld.idx.msk [tilespmem:v16+s6+$0x0], $0xffff;
	_ =	sdelay $0x4  }
0x6e: {  	vm15 =	vgt.s32 v42, v15  }
0x6f: {  	v14 =	vsel vm15, v14, v16  }
0x70: {  	v15 =	vshll.u32 v14, $0x9  }
0x71: {  	s13 =	sadd.s32 $0x10, s11;
	v15 =	vor.u32 v0, v15  }
0x72: {  	v43 =	vor.u32 s13, v2  }
0x73: {  	v44 =	vor.u32 s13, v5;
	_ =	sdelay $0x1  }
0x74: {  	v13 =	vand.u32 $0x7FFFFFFF, v13;
	[tilespmem:s8+$0xFFFFFFE0] =	vst v14;
	v14 =	vor.u32 s13, v7  }
0x75: {  	[tilespmem:v15+s10+$0x0] =	vst.idx.add.f32.msk $0xffff, v13  }
0x76: {  	v15 =	vor.u32 s13, v8;
	v13 =	vld.idx.msk [tilespmem:v43+s5+$0x0], $0xffff  }
0x77: {  	v45 =	vld.idx.msk [tilespmem:v44+s5+$0x0], $0xffff;
	_ =	sdelay $0x1  }
0x78: {  	v14 =	vld.idx.msk [tilespmem:v14+s5+$0x0], $0xffff;
	_ =	sdelay $0x1  }
0x79: {  	v15 =	vld.idx.msk [tilespmem:v15+s5+$0x0], $0xffff  }
0x7a: {  	v13 =	vmul.f32 v13, v1;
	v16 =	vmul.f32 v45, v3;
	_ =	sdelay $0x1  }
0x7b: {  	v14 =	vmul.f32 v14, v4;
	v13 =	vadd.f32 v16, v13;
	_ =	sdelay $0x1  }
0x7c: {  	v13 =	vadd.f32 v14, v13;
	v14 =	vmul.f32 v15, v6;
	_ =	sdelay $0x1  }
0x7d: {  	v13 =	vadd.f32 v14, v13;
	_ =	sdelay $0x1  }
0x7e: {  	[tilespmem:s9+$0xFFFFFFF0] =	vst v13  }
0x7f: {  	v14 =	vld.idx.msk [tilespmem:v9+s6+$0x0], $0xffff;
	_ =	sdelay $0x2  }
0x80: {  	s28 =	sadd.s32 $0x10, s12  }
0x81: {  	v15 =	vor.u32 s28, v0  }
0x82: {  	vm4 =	vgt.s32 v14, v15  }
0x83: {  	v14 =	vsel vm4, $0x0, v9  }
0x84: {  	v46 =	vor.u32 $0x4, v14;
	_ =	sdelay $0x4  }
0x85: {  	v47 =	vld.idx.msk [tilespmem:v46+s6+$0x0], $0xffff;
	_ =	sdelay $0x4  }
0x86: {  	vm5 =	vgt.s32 v47, v15  }
0x87: {  	v14 =	vsel vm5, v14, v46  }
0x88: {  	v16 =	vor.u32 $0x2, v14;
	_ =	sdelay $0x4  }
0x89: {  	v48 =	vld.idx.msk [tilespmem:v16+s6+$0x0], $0xffff;
	_ =	sdelay $0x4  }
0x8a: {  	vm6 =	vgt.s32 v48, v15  }
0x8b: {  	v14 =	vsel vm6, v14, v16  }
0x8c: {  	v16 =	vor.u32 $0x1, v14;
	_ =	sdelay $0x4  }
0x8d: {  	v49 =	vld.idx.msk [tilespmem:v16+s6+$0x0], $0xffff;
	_ =	sdelay $0x4  }
0x8e: {  	vm7 =	vgt.s32 v49, v15  }
0x8f: {  	v14 =	vsel vm7, v14, v16  }
0x90: {  	v15 =	vshll.u32 v14, $0x9  }
0x91: {  	s29 =	sadd.s32 $0x20, s11;
	v15 =	vor.u32 v10, v15  }
0x92: {  	v50 =	vor.u32 s29, v2  }
0x93: {  	v51 =	vor.u32 s29, v5;
	_ =	sdelay $0x1  }
0x94: {  	v13 =	vand.u32 $0x7FFFFFFF, v13;
	[tilespmem:s8+$0xFFFFFFF0] =	vst v14;
	v14 =	vor.u32 s29, v7  }
0x95: {  	[tilespmem:v15+s10+$0x0] =	vst.idx.add.f32.msk $0xffff, v13  }
0x96: {  	v15 =	vor.u32 s29, v8;
	v13 =	vld.idx.msk [tilespmem:v50+s5+$0x0], $0xffff  }
0x97: {  	v52 =	vld.idx.msk [tilespmem:v51+s5+$0x0], $0xffff;
	_ =	sdelay $0x1  }
0x98: {  	v14 =	vld.idx.msk [tilespmem:v14+s5+$0x0], $0xffff;
	_ =	sdelay $0x1  }
0x99: {  	v15 =	vld.idx.msk [tilespmem:v15+s5+$0x0], $0xffff  }
0x9a: {  	v13 =	vmul.f32 v13, v1;
	v16 =	vmul.f32 v52, v3;
	_ =	sdelay $0x1  }
0x9b: {  	v14 =	vmul.f32 v14, v4;
	v13 =	vadd.f32 v16, v13;
	_ =	sdelay $0x1  }
0x9c: {  	v13 =	vadd.f32 v14, v13;
	v14 =	vmul.f32 v15, v6;
	_ =	sdelay $0x1  }
0x9d: {  	v13 =	vadd.f32 v14, v13;
	_ =	sdelay $0x1  }
0x9e: {  	[tilespmem:s9+$0x0] =	vst v13  }
0x9f: {  	v14 =	vld.idx.msk [tilespmem:v9+s6+$0x0], $0xffff;
	_ =	sdelay $0x2  }
0xa0: {  	s30 =	sadd.s32 $0x20, s12  }
0xa1: {  	v15 =	vor.u32 s30, v0  }
0xa2: {  	vm8 =	vgt.s32 v14, v15  }
0xa3: {  	v14 =	vsel vm8, $0x0, v9  }
0xa4: {  	v53 =	vor.u32 $0x4, v14;
	_ =	sdelay $0x4  }
0xa5: {  	v54 =	vld.idx.msk [tilespmem:v53+s6+$0x0], $0xffff;
	_ =	sdelay $0x4  }
0xa6: {  	vm9 =	vgt.s32 v54, v15  }
0xa7: {  	v14 =	vsel vm9, v14, v53  }
0xa8: {  	v16 =	vor.u32 $0x2, v14;
	_ =	sdelay $0x4  }
0xa9: {  	v55 =	vld.idx.msk [tilespmem:v16+s6+$0x0], $0xffff;
	_ =	sdelay $0x4  }
0xaa: {  	vm10 =	vgt.s32 v55, v15  }
0xab: {  	v14 =	vsel vm10, v14, v16  }
0xac: {  	v16 =	vor.u32 $0x1, v14;
	_ =	sdelay $0x4  }
0xad: {  	v56 =	vld.idx.msk [tilespmem:v16+s6+$0x0], $0xffff;
	_ =	sdelay $0x4  }
0xae: {  	vm11 =	vgt.s32 v56, v15  }
0xaf: {  	v14 =	vsel vm11, v14, v16  }
0xb0: {  	v15 =	vshll.u32 v14, $0x9  }
0xb1: {  	s31 =	sadd.s32 $0x30, s11;
	v15 =	vor.u32 v11, v15  }
0xb2: {  	v57 =	vor.u32 s31, v2  }
0xb3: {  	v58 =	vor.u32 s31, v5;
	_ =	sdelay $0x1  }
0xb4: {  	v13 =	vand.u32 $0x7FFFFFFF, v13;
	[tilespmem:s8+$0x0] =	vst v14;
	v14 =	vor.u32 s31, v7  }
0xb5: {  	[tilespmem:v15+s10+$0x0] =	vst.idx.add.f32.msk $0xffff, v13  }
0xb6: {  	v15 =	vor.u32 s31, v8;
	v13 =	vld.idx.msk [tilespmem:v57+s5+$0x0], $0xffff  }
0xb7: {  	v59 =	vld.idx.msk [tilespmem:v58+s5+$0x0], $0xffff;
	_ =	sdelay $0x1  }
0xb8: {  	v14 =	vld.idx.msk [tilespmem:v14+s5+$0x0], $0xffff;
	_ =	sdelay $0x1  }
0xb9: {  	v15 =	vld.idx.msk [tilespmem:v15+s5+$0x0], $0xffff  }
0xba: {  	v13 =	vmul.f32 v13, v1;
	v16 =	vmul.f32 v59, v3;
	_ =	sdelay $0x1  }
0xbb: {  	v14 =	vmul.f32 v14, v4;
	v13 =	vadd.f32 v16, v13;
	_ =	sdelay $0x1  }
0xbc: {  	v13 =	vadd.f32 v14, v13;
	v14 =	vmul.f32 v15, v6;
	_ =	sdelay $0x1  }
0xbd: {  	v13 =	vadd.f32 v14, v13;
	_ =	sdelay $0x1  }
0xbe: {  	[tilespmem:s9+$0x10] =	vst v13  }
0xbf: {  	v14 =	vld.idx.msk [tilespmem:v9+s6+$0x0], $0xffff;
	_ =	sdelay $0x2  }
0xc0: {  	s12 =	sadd.s32 $0x30, s12  }
0xc1: {  	v15 =	vor.u32 s12, v0  }
0xc2: {  	vm12 =	vgt.s32 v14, v15  }
0xc3: {  	v14 =	vsel vm12, $0x0, v9  }
0xc4: {  	v60 =	vor.u32 $0x4, v14;
	_ =	sdelay $0x4  }
0xc5: {  	v61 =	vld.idx.msk [tilespmem:v60+s6+$0x0], $0xffff;
	_ =	sdelay $0x4  }
0xc6: {  	vm13 =	vgt.s32 v61, v15  }
0xc7: {  	v14 =	vsel vm13, v14, v60  }
0xc8: {  	v16 =	vor.u32 $0x2, v14;
	_ =	sdelay $0x4  }
0xc9: {  	v62 =	vld.idx.msk [tilespmem:v16+s6+$0x0], $0xffff;
	_ =	sdelay $0x4  }
0xca: {  	vm14 =	vgt.s32 v62, v15  }
0xcb: {  	v14 =	vsel vm14, v14, v16  }
0xcc: {  	v16 =	vor.u32 $0x1, v14;
	_ =	sdelay $0x4  }
0xcd: {  	v63 =	vld.idx.msk [tilespmem:v16+s6+$0x0], $0xffff;
	_ =	sdelay $0x4  }
0xce: {  	vm15 =	vgt.s32 v63, v15  }
0xcf: {  	v14 =	vsel vm15, v14, v16  }
0xd0: {  	v15 =	vshll.u32 v14, $0x9  }
0xd1: {  	p0 =	sne.s32 s11, $0x7C0;
	v15 =	vor.u32 v12, v15  }
.Ltmp0:
0xd2: {  	_ = 	snop;
	(pc) =	sbr.rel @p0 .LBB2_1-.Ltmp0, $3  }
0xd3: {  	_ =	sdelay $0x1  }
0xd4: {  	v13 =	vand.u32 $0x7FFFFFFF, v13;
	[tilespmem:s8+$0x10] =	vst v14  }
0xd5: {  	s11 =	sadd.s32 $0x40, s11;
	s9 =	sadd.s32 $0x40, s9;
	s8 =	sadd.s32 $0x40, s8;
	[tilespmem:v15+s10+$0x0] =	vst.idx.add.f32.msk $0xffff, v13  }
0xd6: {  	v0 =	vld [tilespmem:$0x1900]  }
0xd7: {  	v1 =	vld [tilespmem:$0x1980]  }
0xd8: {  	v2 =	vld [tilespmem:$0x1A00]  }
0xd9: {  	v3 =	vld [tilespmem:$0x1A80]  }
0xda: {  	v4 =	vld [tilespmem:$0x1B00]  }
0xdb: {  	v5 =	vld [tilespmem:$0x1B80]  }
0xdc: {  	v6 =	vld [tilespmem:$0x1C00]  }
0xdd: {  	v7 =	vld [tilespmem:$0x1C80]  }
0xde: {  	v8 =	vld [tilespmem:$0x1D00]  }
0xdf: {  	v9 =	vld [tilespmem:$0x1D80]  }
0xe0: {  	v10 =	vld [tilespmem:$0x1E00]  }
0xe1: {  	v11 =	vld [tilespmem:$0x1E80]  }
0xe2: {  	v12 =	vld [tilespmem:$0x1F00]  }
0xe3: {  	v13 =	vld [tilespmem:$0x1F80]  }
0xe4: {  	v14 =	vld [tilespmem:$0x2000]  }
0xe5: {  	v15 =	vld [tilespmem:$0x2080]  }
0xe6: {  	v16 =	vld [tilespmem:$0x2100]  }
0xe7: {  	v17 =	vld [tilespmem:$0x2180]  }
0xe8: {  	v18 =	vld [tilespmem:$0x2200]  }
0xe9: {  	v19 =	vld [tilespmem:$0x2280]  }
0xea: {  	v20 =	vld [tilespmem:$0x2300]  }
0xeb: {  	v21 =	vld [tilespmem:$0x2380]  }
0xec: {  	v22 =	vld [tilespmem:$0x2400]  }
0xed: {  	v23 =	vld [tilespmem:$0x2480]  }
0xee: {  	v24 =	vld [tilespmem:$0x2500]  }
0xef: {  	v25 =	vld [tilespmem:$0x2580]  }
0xf0: {  	v26 =	vld [tilespmem:$0x2600];
	v0 =	vadd.f32 v1, v0  }
0xf1: {  	v27 =	vld [tilespmem:$0x2680]  }
0xf2: {  	v28 =	vld [tilespmem:$0x2700];
	v0 =	vadd.f32 v2, v0;
	v2 =	vadd.f32 v5, v4  }
0xf3: {  	v29 =	vld [tilespmem:$0x2780]  }
0xf4: {  	v30 =	vld [tilespmem:$0x2880];
	v2 =	vadd.f32 v6, v2;
	v6 =	vadd.f32 v9, v8  }
0xf5: {  	v49 =	vld [tilespmem:$0x2D00];
	v0 =	vadd.f32 v3, v0  }
0xf6: {  	v50 =	vld [tilespmem:$0x2E00];
	v6 =	vadd.f32 v10, v6  }
0xf7: {  	v51 =	vld [tilespmem:$0x2E80];
	(xrf2) =	vadd.scan.msk.f32 $0xffff, v0;
	v0 =	vadd.f32 v7, v2;
	v7 =	vadd.f32 v13, v12  }
0xf8: {  	v53 =	vld [tilespmem:$0x2F00];
	v6 =	vadd.f32 v11, v6  }
0xf9: {  	v1 =	vld [tilespmem:$0x2800];
	(xrf2) =	vadd.scan.msk.f32 $0xffff, v0;
	v7 =	vadd.f32 v14, v7;
	v11 =	vadd.f32 v17, v16  }
0xfa: {  	v4 =	vld [tilespmem:$0x2900]  }
0xfb: {  	v5 =	vld [tilespmem:$0x2980];
	(xrf2) =	vadd.scan.msk.f32 $0xffff, v6;
	v6 =	vadd.f32 v15, v7;
	v11 =	vadd.f32 v18, v11  }
0xfc: {  	v54 =	vld [tilespmem:$0x2F80]  }
0xfd: {  	v3 =	vld [tilespmem:$0x2A00];
	(xrf2) =	vadd.scan.msk.f32 $0xffff, v6;
	v6 =	vadd.f32 v21, v20;
	v11 =	vadd.f32 v19, v11  }
0xfe: {  	v58 =	vadd.f32 v29, v28;
	v9 =	vld [tilespmem:$0x2B80]  }
0xff: {  	v52 =	vadd.f32 v25, v24;
	v2 =	vld [tilespmem:$0x2B00];
	v6 =	vadd.f32 v22, v6  }
0x100: {  	v8 =	vld [tilespmem:$0x2A80];
	v1 =	vadd.f32 v1, v58;
	v4 =	vadd.f32 v5, v4;
	(xrf2) =	vadd.scan.msk.f32 $0xffff, v11  }
0x101: {  	v7 =	vld [tilespmem:$0x2D80];
	v15 =	vadd.f32 v26, v52;
	v11, _, _ =	vpop (xrf2);
	v6 =	vadd.f32 v23, v6  }
0x102: {  	v1 =	vadd.f32 v30, v1;
	v0 =	vld [tilespmem:$0x2C00];
	v11 =	vbroadcast v11, $0xF  }
0x103: {  	v55 =	vld [tilespmem:$0x3000];
	vm0 =	vmmov $0x1;
	v3 =	vadd.f32 v3, v4;
	v15 =	vadd.f32 v27, v15;
	v57, _, _ =	vpop (xrf2);
	(xrf2) =	vadd.scan.msk.f32 $0xffff, v6  }
0x104: {  	v10 =	vld [tilespmem:$0x2C80];
	v2 =	vadd.f32 v9, v2;
	v6 =	vnsel vm0, $0x0, v11;
	v11 =	vbroadcast v57, $0xF  }
0x105: {  	v59 =	vld [tilespmem:$0x3100];
	vm13 =	vcmask $0x704;
	v3 =	vadd.f32 v8, v3;
	(xrf2) =	vadd.scan.msk.f32 $0xffff, v15;
	v6 =	vadd.f32 $0.0e+00, v6;
	v4, _, _ =	vpop (xrf2)  }
0x106: {  	v5 =	vld [tilespmem:$0x3180];
	v7 =	vadd.f32 v7, v49;
	v11 =	vnsel vm13, $0x0, v11;
	v4 =	vbroadcast v4, $0xF  }
0x107: {  	v56 =	vld [tilespmem:$0x3080];
	vm14 =	vcmask $0xB08;
	v0 =	vadd.f32 v0, v2;
	v6 =	vadd.f32 v11, v6;
	v8, _, _ =	vpop (xrf2)  }
0x108: {  	v60 =	vld [tilespmem:$0x3200];
	(xrf2) =	vadd.scan.msk.f32 $0xffff, v1;
	v1 =	vnsel vm14, $0x0, v4;
	v4 =	vbroadcast v8, $0xF  }
0x109: {  	vm15 =	vcmask $0xF0C;
	v9 =	vld [tilespmem:$0x3280];
	v0 =	vadd.f32 v10, v0;
	v1 =	vadd.f32 v1, v6  }
0x10a: {  	v2 =	vld [tilespmem:$0x3380];
	v10 =	vadd.f32 v54, v53;
	(xrf2) =	vadd.scan.msk.f32 $0xffff, v3;
	v3 =	vnsel vm15, $0x0, v4;
	v4 =	vadd.f32 v50, v7;
	v7, _, _ =	vpop (xrf2)  }
0x10b: {  	v5 =	vadd.f32 v5, v59;
	v11 =	vld [tilespmem:$0x3300];
	v1 =	vadd.f32 v3, v1;
	v3 =	vbroadcast v7, $0xF  }
0x10c: {  	v61 =	vld [tilespmem:$0x3500];
	vm4 =	vcmask $0x1310;
	(xrf2) =	vadd.scan.msk.f32 $0xffff, v0;
	v0 =	vadd.f32 v51, v4;
	v4 =	vadd.f32 v55, v10  }
0x10d: {  	v5 =	vadd.f32 v60, v5;
	v8 =	vld [tilespmem:$0x3400];
	v3 =	vnsel vm4, $0x0, v3;
	v62, _, _ =	vpop (xrf2)  }
0x10e: {  	v7 =	vld [tilespmem:$0x3580];
	v1 =	vadd.f32 v3, v1;
	(xrf2) =	vadd.scan.msk.f32 $0xffff, v0;
	v0 =	vbroadcast v62, $0xF;
	v3 =	vadd.f32 v56, v4  }
0x10f: {  	vm5 =	vcmask $0x1714;
	v5 =	vadd.f32 v9, v5;
	v6 =	vld [tilespmem:$0x3480];
	v9, _, _ =	vpop (xrf2)  }
0x110: {  	v10 =	vld [tilespmem:$0x3600];
	v2 =	vadd.f32 v2, v11;
	(xrf2) =	vadd.scan.msk.f32 $0xffff, v3;
	v0 =	vnsel vm5, $0x0, v0;
	v3 =	vbroadcast v9, $0xF  }
0x111: {  	vm6 =	vcmask $0x1B18;
	v4 =	vld [tilespmem:$0x3700];
	v0 =	vadd.f32 v0, v1  }
0x112: {  	v2 =	vadd.f32 v8, v2;
	v8 =	vld [tilespmem:$0x3780];
	v9, _, _ =	vpop (xrf2);
	v3 =	vnsel vm6, $0x0, v3  }
0x113: {  	v11 =	vld [tilespmem:$0x3680];
	v7 =	vadd.f32 v7, v61;
	v0 =	vadd.f32 v3, v0;
	v3 =	vbroadcast v9, $0xF  }
0x114: {  	vm7 =	vcmask $0x1F1C  }
0x115: {  	v3 =	vnsel vm7, $0x0, v3  }
0x116: {  	v2 =	vadd.f32 v6, v2;
	v1 =	vld [tilespmem:$0x3800];
	(xrf2) =	vadd.scan.msk.f32 $0xffff, v5;
	v5 =	vadd.f32 v10, v7  }
0x117: {  	v4 =	vadd.f32 v8, v4;
	v7, _, _ =	vpop (xrf2)  }
0x118: {  	(xrf2) =	vadd.scan.msk.f32 $0xffff, v2;
	v2 =	vadd.f32 v11, v5;
	v5 =	vbroadcast v7, $0xF;
	v0 =	vadd.f32 v3, v0;
	v3, _, _ =	vpop (xrf2)  }
0x119: {  	vm8 =	vcmask $0x2320;
	v6 =	vld [tilespmem:$0x3880];
	v3 =	vbroadcast v3, $0xF  }
0x11a: {  	vm9 =	vcmask $0x2724;
	(xrf2) =	vadd.scan.msk.f32 $0xffff, v2;
	v2 =	vnsel vm8, $0x0, v5  }
0x11b: {  	v1 =	vadd.f32 v1, v4;
	v4, _, _ =	vpop (xrf2);
	v0 =	vadd.f32 v2, v0;
	v2 =	vnsel vm9, $0x0, v3  }
0x11c: {  	v3 =	vbroadcast v4, $0xF;
	_ =	sdelay $0x1  }
0x11d: {  	v1 =	vadd.f32 v6, v1;
	v0 =	vadd.f32 v2, v0;
	v2, _, _ =	vpop (xrf2)  }
0x11e: {  	vm10 =	vcmask $0x2B28;
	v2 =	vbroadcast v2, $0xF  }
0x11f: {  	vm11 =	vcmask $0x2F2C;
	(xrf2) =	vadd.scan.msk.f32 $0xffff, v1;
	v1 =	vnsel vm10, $0x0, v3;
	v3, _, _ =	vpop (xrf2)  }
0x120: {  	v0 =	vadd.f32 v1, v0;
	v1 =	vnsel vm11, $0x0, v2;
	v2 =	vbroadcast v3, $0xF  }
0x121: {  	vm12 =	vcmask $0x3330;
	v3, _, _ =	vpop (xrf2)  }
0x122: {  	v0 =	vadd.f32 v1, v0;
	v1 =	vnsel vm12, $0x0, v2;
	v2 =	vbroadcast v3, $0xF  }
0x123: {  	vm13 =	vcmask $0x3734;
	v3, _, _ =	vpop (xrf2)  }
0x124: {  	v0 =	vadd.f32 v1, v0;
	v1 =	vnsel vm13, $0x0, v2;
	v2 =	vbroadcast v3, $0xF  }
0x125: {  	vm14 =	vcmask $0x3B38  }
0x126: {  	v0 =	vadd.f32 v1, v0;
	v1 =	vnsel vm14, $0x0, v2;
	_ =	sdelay $0x2  }
0x127: {  	vm15 =	vmmov $0x7fff;
	v0 =	vadd.f32 v1, v0;
	v1, _, _ =	vpop (xrf2)  }
0x128: {  	v1 =	vsel vm15, $0x0, v1  }
0x129: {  	v0 =	vadd.f32 v1, v0  }
0x12a: {  	s5 =	sshll.u32 s1, $0x4;
	s7 =	simm.s32 $0x0  }
0x12b: {  	s29 =	simm.s32 $0x1;
	s6 =	sadd.s32 s4, s5;
	s5 =	simm.s32 $0x3900;
	[tilespmem:$0x3900] =	vst v0  }
0x12c: {  	[hbm4b:s6+s7] =	stream.linear.scatter [tilespmem:s5], [sflag:$0x1], $0x80, $0x38;
	[tilespmem:$0x4180] =	vst v63  }
0x12d: {  	_ =	swait.ge [sflag:s29], $0x80  }
0x12e: {  	[sflag:s29] =	ssyncset.done $0x0  }
0x12f: {  	[sflag:s29] =	ssyncadd.s32 $0xFFFFFF80  }
0x130: {  	s8 =	simm.s32 $0x3980;
	[bflag:$0x0] =	sbarrier.arrive $0xFFFF  }
0x131: {  	[tilespmem:s8], [sflag:$0x1] =	stream.linear.gather [hbm4b:s4+s7], $0x800, $0x38;
	[tilespmem:$0x4180] =	vst v63  }
0x132: {  	_ =	swait.ge [sflag:s29], $0x800  }
0x133: {  	[sflag:s29] =	ssyncset.done $0x0  }
0x134: {  	[sflag:s29] =	ssyncadd.s32 $0xFFFFF800  }
0x135: {  	v0 =	vld [tilespmem:$0x3980]  }
0x136: {  	v1 =	vld [tilespmem:$0x3A00];
	_ =	sdelay $0x1  }
0x137: {  	v2 =	vld [tilespmem:$0x3A80];
	_ =	sdelay $0x1  }
0x138: {  	v3 =	vld [tilespmem:$0x3B00]  }
0x139: {  	v0 =	vadd.f32 v1, v0  }
0x13a: {  	v1 =	vld [tilespmem:$0x3B80]  }
0x13b: {  	v0 =	vadd.f32 v2, v0  }
0x13c: {  	v2 =	vld [tilespmem:$0x3C00]  }
0x13d: {  	v0 =	vadd.f32 v3, v0  }
0x13e: {  	v3 =	vld [tilespmem:$0x3C80]  }
0x13f: {  	v0 =	vadd.f32 v1, v0  }
0x140: {  	v1 =	vld [tilespmem:$0x3D00]  }
0x141: {  	v0 =	vadd.f32 v2, v0  }
0x142: {  	v2 =	vld [tilespmem:$0x3D80]  }
0x143: {  	v0 =	vadd.f32 v3, v0  }
0x144: {  	v3 =	vld [tilespmem:$0x3E00]  }
0x145: {  	v0 =	vadd.f32 v1, v0  }
0x146: {  	v1 =	vld [tilespmem:$0x3E80]  }
0x147: {  	v0 =	vadd.f32 v2, v0  }
0x148: {  	v2 =	vld [tilespmem:$0x3F00]  }
0x149: {  	v0 =	vadd.f32 v3, v0  }
0x14a: {  	v3 =	vld [tilespmem:$0x3F80]  }
0x14b: {  	v0 =	vadd.f32 v1, v0  }
0x14c: {  	v1 =	vld [tilespmem:$0x4000]  }
0x14d: {  	v0 =	vadd.f32 v2, v0  }
0x14e: {  	v2 =	vld [tilespmem:$0x4080]  }
0x14f: {  	v0 =	vadd.f32 v3, v0  }
0x150: {  	v3 =	vld [tilespmem:$0x4100]  }
0x151: {  	v0 =	vadd.f32 v1, v0;
	_ =	sdelay $0x1  }
0x152: {  	v0 =	vadd.f32 v2, v0;
	_ =	sdelay $0x1  }
0x153: {  	v0 =	vadd.f32 v3, v0;
	_ =	sdelay $0x1  }
0x154: {  	(erf) = vrcp.f32 v0;
	_ =	sdelay $0x8  }
0x155: {  	v0 =	vpop (erf)  }
0x156: {  	s30 =	simm.s32 $0x1020;
	[tilespmem:$0x3900] =	vst v0  }
0x157: {  	v0 =	vld [tilespmem:s30+$0x10]  }
0x158: {  	v1 =	vld [tilespmem:s30+$0xFFFFFFF0]  }
0x159: {  	v2 =	vld [tilespmem:s30+$0xFFFFFFE0]  }
0x15a: {  	s4 =	simm.s32 $0x820;
	v3 =	vld [tilespmem:s30+$0x0]  }
0x15b: {  	s31 =	simm.s32 $0x1060;
	v6 =	vld [tilespmem:s4+$0x10]  }
0x15c: {  	v4 =	vld [tilespmem:s31+$0x10]  }
0x15d: {  	v9 =	vld [tilespmem:s31+$0xFFFFFFF0]  }
0x15e: {  	v10 =	vld [tilespmem:s31+$0xFFFFFFE0]  }
0x15f: {  	v11 =	vld [tilespmem:s4+$0xFFFFFFE0]  }
0x160: {  	v63 =	vld [tilespmem:s4+$0xFFFFFFF0]  }
0x161: {  	v5 =	vld [tilespmem:s4+$0x0]  }
0x162: {  	v0 =	vld.idx.msk [tilespmem:v0+s5+$0x0], $0xffff  }
0x163: {  	v8 =	vld.idx.msk [tilespmem:v1+s5+$0x0], $0xffff  }
0x164: {  	v7 =	vld.idx.msk [tilespmem:v2+s5+$0x0], $0xffff  }
0x165: {  	v1 =	vld [tilespmem:s31+$0x0]  }
0x166: {  	v2 =	vld.idx.msk [tilespmem:v3+s5+$0x0], $0xffff  }
0x167: {  	s6 =	simm.s32 $0x860;
	v4 =	vld.idx.msk [tilespmem:v4+s5+$0x0], $0xffff  }
0x168: {  	v0 =	vmul.f32 v6, v0;
	v6 =	vld [tilespmem:s6+$0x10]  }
0x169: {  	v3 =	vld.idx.msk [tilespmem:v9+s5+$0x0], $0xffff;
	v7 =	vmul.f32 v11, v7  }
0x16a: {  	s7 =	simm.s32 $0x4;
	s8 =	simm.s32 $0x10A0;
	v8 =	vmul.f32 v63, v8;
	[tilespmem:s4+$0x10] =	vst v0;
	v0 =	vld.idx.msk [tilespmem:v10+s5+$0x0], $0xffff  }
.LBB2_3:
0x16b: {  	v9 =	vld [tilespmem:s8+$0x10];
	s7 =	sadd.s32 $0x4, s7;
	[tilespmem:s4+$0xFFFFFFE0] =	vst v7;
	v2 =	vmul.f32 v5, v2  }
0x16c: {  	v7 =	vld [tilespmem:s8+$0xFFFFFFF0];
	p0 =	slt.u32 s7, $0x7C;
	[tilespmem:s4+$0xFFFFFFF0] =	vst v8  }
0x16d: {  	v8 =	vld [tilespmem:s8+$0x0];
	v4 =	vmul.f32 v6, v4;
	[tilespmem:s4+$0x0] =	vst v2;
	s4 =	smov.u32 s6  }
0x16e: {  	v10 =	vld [tilespmem:s8+$0xFFFFFFE0]  }
0x16f: {  	v11 =	vmov v3;
	v2 =	vld.idx.msk [tilespmem:v1+s5+$0x0], $0xffff;
	[tilespmem:s6+$0x10] =	vst v4  }
0x170: {  	v12 =	vld [tilespmem:s6+$0xFFFFFFE0]  }
0x171: {  	v13 =	vld [tilespmem:s6+$0xFFFFFFF0]  }
.Ltmp1:
0x172: {  	v5 =	vld [tilespmem:s6+$0x0];
	v1 =	vmov v8;
	(pc) =	sbr.rel @p0 .LBB2_3-.Ltmp1, $4  }
0x173: {  	s6 =	sadd.s32 $0x40, s6;
	v4 =	vld.idx.msk [tilespmem:v9+s5+$0x0], $0xffff  }
0x174: {  	v6 =	vld [tilespmem:s6+$0x10]  }
0x175: {  	v3 =	vld.idx.msk [tilespmem:v7+s5+$0x0], $0xffff;
	v7 =	vmul.f32 v12, v0  }
0x176: {  	s8 =	sadd.s32 $0x40, s8;
	v0 =	vld.idx.msk [tilespmem:v10+s5+$0x0], $0xffff;
	v8 =	vmul.f32 v13, v11  }
0x177: {  	_ =	sdelay $0x3  }
0x178: {  	v1 =	vld.idx.msk [tilespmem:v1+s5+$0x0], $0xffff  }
0x179: {  	v9 =	vld [tilespmem:s6+$0xFFFFFFE0]  }
0x17a: {  	v10 =	vld [tilespmem:s6+$0xFFFFFFF0]  }
0x17b: {  	v11 =	vld [tilespmem:s6+$0x0]  }
0x17c: {  	[tilespmem:s4+$0xFFFFFFE0] =	vst v7;
	v2 =	vmul.f32 v5, v2  }
0x17d: {  	[tilespmem:s4+$0xFFFFFFF0] =	vst v8;
	v4 =	vmul.f32 v6, v4  }
0x17e: {  	[tilespmem:s4+$0x0] =	vst v2;
	v0 =	vmul.f32 v9, v0  }
0x17f: {  	[tilespmem:s6+$0x10] =	vst v4;
	v62 =	vmul.f32 v10, v3  }
0x180: {  	v63 =	vmul.f32 v11, v1;
	[tilespmem:s6+$0xFFFFFFE0] =	vst v0  }
0x181: {  	s2 =	sadd.s32 s2, s3;
	[tilespmem:s6+$0xFFFFFFF0] =	vst v62  }
0x182: {  	s29 =	simm.s32 $0x0;
	s30 =	simm.s32 $0x800;
	s31 =	simm.s32 $0x1;
	[tilespmem:s6+$0x0] =	vst v63  }
0x183: {  	[hbm4b:s2+s29] =	stream.linear.scatter [tilespmem:s30], [sflag:$0x1], $0x800, $0x38;
	[tilespmem:$0x4180] =	vst v63  }
0x184: {  	_ =	swait.ge [sflag:s31], $0x800  }
0x185: {  	[sflag:s31] =	ssyncset.done $0x0  }
0x186: {  	[sflag:s31] =	ssyncadd.s32 $0xFFFFF800  }
0x187: {  	_ =	sfence.sel $0x180000  }
0x188: {  	[bflag:$0x0] =	sbarrier.arrive $0xFFFF  }
0x189: {  	p0 =	sne.s32 s1, $0x0;
	_ =	strace $0x90000047  }
0x18a: {  	s0 =	sadd.s32 @!p0 $0x100000, s0;
	[bflag:$0x2] =	sbarrier.arrive $0xFFFF  }
0x18b: {  	[sflag:s0] =	ssyncadd.tile.s32 @!p0 $0x1;
	_ =	shalt  }
.Lfunc_end2:
_tile_overlayer_lowered:
.L_overlay_start_2:
0x18c: {  	(tag) =	ssettag $0x2  }
0x18d: {  	s0 =	rddreg [dreg:$0x0];
	s2 =	stileid.u32  }
0x18e: {  	s1 =	rddreg [dreg:$0x1];
	p0 =	sne.s32 s2, $0x0  }
0x18f: {  	s3 =	rddreg [dreg:$0x2];
	[bflag:$0x3] =	sbarrier.arrive $0xFFFF;
	s2 =	simm.s32 @!p0 $0x1C01  }
0x190: {  	[timem:s3], [sflag:s2] =	dma.local @!p0 [hbm:s0], s1  }
0x191: {  	s0 =	simm.s32 @!p0 $0x1  }
0x192: {  	_ =	swait.ge @!p0 [sflag:s0], s1  }
0x193: {  	s1 =	ssub.s32 @!p0 $0x0, s1;
	[sflag:s0] =	ssyncset.done @!p0 $0x0  }
0x194: {  	[sflag:s0] =	ssyncadd.s32 @!p0 s1  }
0x195: {  	[bflag:$0x3] =	sbarrier.arrive $0xFFFF  }
0x196: {  	_ =	shalt  }

</sc_bundles>
